<compile_context>
chip_gen: v7x
topology: tpu7x:2x2x1
jax: 0.10.2.dev20260603
libtpu: 0.0.44.dev20260713+nightly
codegen_flags: <defaults>
</compile_context>

<pallas_src>
import dataclasses
import functools

import jax
import jax.numpy as jnp
from jax import lax
from jax.experimental import pallas as pl
from jax.experimental.pallas import tpu as pltpu
from jax.experimental.pallas import tpu_sc as plsc

_RATE = 0.1

_L = 16
_NC = 2
_NS = 16
_N = 1_000_000
_NT = 128

_HE = 2192 * _L
_LE = 1712 * _L
_TAIL = _N - _NS * (_HE + _LE)
_LMAX = _LE + _TAIL
_HEAVY_CORE = 1


def _apply_adds(buf, tgt_v, stim_v, gate_zero, base, nelems):
    for j in range(_NT // _L):
        t = tgt_v[pl.ds(j * _L, _L)]
        s = stim_v[pl.ds(j * _L, _L)]
        s = jnp.where(gate_zero, s, jnp.zeros_like(s))
        et = t - base
        inb = (et >= 0) & (et < nelems)
        et_c = jnp.minimum(jnp.maximum(et, 0), nelems - 1)
        plsc.addupdate_scatter(buf, [et_c], s, mask=inb)


@functools.lru_cache(maxsize=1)
def _build_stim_kernel():
    mesh = plsc.VectorSubcoreMesh(
        core_axis_name="c", subcore_axis_name="s",
        num_cores=_NC, num_subcores=_NS,
    )
    cp = pltpu.CompilerParams()
    if "needs_layout_passes" in pltpu.CompilerParams.__dataclass_fields__:
        cp = dataclasses.replace(cp, needs_layout_passes=False)
    if "use_tc_tiling_on_sc" in pltpu.CompilerParams.__dataclass_fields__:
        cp = dataclasses.replace(cp, use_tc_tiling_on_sc=False)
    if "skip_device_barrier" in pltpu.CompilerParams.__dataclass_fields__:
        cp = dataclasses.replace(cp, skip_device_barrier=True)

    @functools.partial(
        pl.kernel,
        compiler_params=cp,
        out_type=jax.ShapeDtypeStruct((_N,), jnp.float32),
        mesh=mesh,
        scratch_types=[
            pltpu.VMEM((_LMAX if _LMAX > _HE else _HE,), jnp.float32),
            pltpu.VMEM((_NT,), jnp.int32),
            pltpu.VMEM((_NT,), jnp.float32),
            pltpu.VMEM((_L,), jnp.float32),
            pltpu.SemaphoreType.DMA,
        ],
    )
    def _stim_kernel(x_hbm, tgt_hbm, stim_hbm, tmod_hbm, o_hbm,
                     buf, tgt_v, stim_v, tmod_v, sem):
        c = lax.axis_index("c")
        s = lax.axis_index("s")

        def do_chunk(base, nelems):
            bslc = buf.at[pl.ds(0, nelems)]
            cin = pltpu.async_copy(x_hbm.at[pl.ds(base, nelems)], bslc, sem)
            pltpu.sync_copy(tgt_hbm, tgt_v)
            pltpu.sync_copy(stim_hbm, stim_v)
            pltpu.sync_copy(tmod_hbm, tmod_v)
            gate_zero = tmod_v[...] == 0.0
            cin.wait()
            _apply_adds(bslc, tgt_v, stim_v, gate_zero, base, nelems)
            pltpu.async_copy(bslc, o_hbm.at[pl.ds(base, nelems)], sem).wait()

        @pl.when(c == _HEAVY_CORE)
        def _heavy():
            do_chunk(s * _HE, _HE)

        @pl.when((c != _HEAVY_CORE) & (s < _NS - 1))
        def _light():
            do_chunk(_NS * _HE + s * _LE, _LE)

        @pl.when((c != _HEAVY_CORE) & (s == _NS - 1))
        def _light_tail():
            do_chunk(_NS * _HE + (_NS - 1) * _LE, _LMAX)

    return _stim_kernel


def kernel(t, out, targets, stimulation_strength):
    tmod = (t % (1.0 / _RATE)).astype(jnp.float32)
    tmod_vec = jnp.broadcast_to(tmod, (_L,))
    tgt = targets.astype(jnp.int32)
    return _build_stim_kernel()(out, tgt, stimulation_strength, tmod_vec)

# --- scband reference (transcript-rebuilt; emitter-appended) ---
"""Pipeline reference for scband-regular-stimulation-63917703299747 (READ-ONLY COPY).

The authoritative reference and input builder live on the scoring server;
editing this copy changes nothing except your own understanding.
"""

import jax, jax.numpy as jnp
import numpy as np

RATE = 0.1
STRENGTH = 1.5
N_TARGETS = 128
MEM_SIZE = 1000000
TARGETS = np.arange(N_TARGETS, dtype=np.int64) * 7812


def setup_inputs(seed: int = 0) -> dict:
    key = jax.random.key(seed)
    t = 10  # python int scalar; t % (1/rate) == 0 -> stimulation fires
    out = jnp.zeros((MEM_SIZE,), dtype=jnp.float32)
    targets = jnp.asarray(TARGETS, dtype=jnp.int64)
    stimulation_strength = STRENGTH * jnp.ones((N_TARGETS,), dtype=jnp.float32)
    return {"t": t, "out": out, "targets": targets, "stimulation_strength": stimulation_strength}


def reference(t, out, targets, stimulation_strength):
    # stimulate = t % (1 / rate) == 0
    stimulate = (t % (1.0 / RATE)) == 0
    stim = stimulation_strength * jnp.float32(stimulate)
    # scatter_add(stim, targets, dim=0, out=out)
    result = out.at[targets].add(stim)
    return result

if __name__ == "__main__":
    import jax
    _d = setup_inputs()
    print(jax.jit(kernel)(*tuple(_d.values())))

</pallas_src>

<mosaic_0001>
#map = affine_map<(d0, d1) -> (0)>
module attributes {stable_mosaic.version = 14 : i64} {
  func.func @_stim_kernel(%arg0: i32, %arg1: i32, %arg2: memref<1000000xf32, #tpu.memory_space<hbm>>, %arg3: memref<128xi32, #tpu.memory_space<hbm>>, %arg4: memref<128xf32, #tpu.memory_space<hbm>>, %arg5: memref<16xf32, #tpu.memory_space<hbm>>, %arg6: memref<1000000xf32, #tpu.memory_space<hbm>>, %arg7: memref<35072xf32, #tpu.memory_space<vmem>>, %arg8: memref<128xi32, #tpu.memory_space<vmem>>, %arg9: memref<128xf32, #tpu.memory_space<vmem>>, %arg10: memref<16xf32, #tpu.memory_space<vmem>>, %arg11: memref<!tpu.dma_semaphore, #tpu.memory_space<semaphore_mem>>) attributes {dimension_semantics = [#tpu.dimension_semantics<core_parallel>, #tpu.dimension_semantics<subcore_parallel>], iteration_bounds = array<i64: 2, 16>, scalar_prefetch = 0 : i64, scratch_operands = 5 : i64, tpu.core_type = #tpu.core_type<sc_vector_subcore>, window_params = [{transform_indices = #map}, {transform_indices = #map}, {transform_indices = #map}, {transform_indices = #map}, {transform_indices = #map}]} {
    %eq3A = arith.constant 1 : i32
    %eq3A_0 = arith.cmpi eq, %arg0, %eq3A : i32
    %convert_element_type3A = arith.extui %eq3A_0 : i1 to i32
    %cond3A = arith.constant 0 : i32
    %cond3A_1 = arith.cmpi ne, %convert_element_type3A, %cond3A : i32
    scf.if %cond3A_1 {
      %mul3A = arith.constant 35072 : i32
      %mul3A_15 = arith.muli %arg1, %mul3A : i32
      %dma_start3A = arith.constant 0 : i32
      %dma_start3A_16 = tpu.memref_slice %arg7[%dma_start3A] : memref<35072xf32, #tpu.memory_space<vmem>> -> memref<35072xf32, #tpu.memory_space<vmem>>
      %dma_start3A_17 = tpu.memref_slice %arg2[%mul3A_15] : memref<1000000xf32, #tpu.memory_space<hbm>> -> memref<35072xf32, #tpu.memory_space<hbm>>
      %dma_start3A_18 = arith.constant 0 : i32
      %dma_start3A_19 = tpu.memref_slice %arg7[%dma_start3A_18] : memref<35072xf32, #tpu.memory_space<vmem>> -> memref<35072xf32, #tpu.memory_space<vmem>>
      %dma_start3A_20 = tpu.memref_slice %arg2[%mul3A_15] : memref<1000000xf32, #tpu.memory_space<hbm>> -> memref<35072xf32, #tpu.memory_space<hbm>>
      tpu.enqueue_dma source(%dma_start3A_20 : memref<35072xf32, #tpu.memory_space<hbm>>) target(%dma_start3A_19 : memref<35072xf32, #tpu.memory_space<vmem>>) target_semaphore(%arg11 : memref<!tpu.dma_semaphore, #tpu.memory_space<semaphore_mem>>)
      "tpu.region"() ({
        %run_scoped3A = tpu.sem_alloc : memref<!tpu.dma_semaphore, #tpu.memory_space<semaphore_mem>>
        tpu.enqueue_dma source(%arg3 : memref<128xi32, #tpu.memory_space<hbm>>) target(%arg8 : memref<128xi32, #tpu.memory_space<vmem>>) target_semaphore(%run_scoped3A : memref<!tpu.dma_semaphore, #tpu.memory_space<semaphore_mem>>)
        tpu.wait_dma2 semaphore(%run_scoped3A : memref<!tpu.dma_semaphore, #tpu.memory_space<semaphore_mem>>) src(%arg3 : memref<128xi32, #tpu.memory_space<hbm>>) dst(%arg8 : memref<128xi32, #tpu.memory_space<vmem>>)
        tpu.yield
      }) : () -> ()
      "tpu.region"() ({
        %run_scoped3A = tpu.sem_alloc : memref<!tpu.dma_semaphore, #tpu.memory_space<semaphore_mem>>
        tpu.enqueue_dma source(%arg4 : memref<128xf32, #tpu.memory_space<hbm>>) target(%arg9 : memref<128xf32, #tpu.memory_space<vmem>>) target_semaphore(%run_scoped3A : memref<!tpu.dma_semaphore, #tpu.memory_space<semaphore_mem>>)
        tpu.wait_dma2 semaphore(%run_scoped3A : memref<!tpu.dma_semaphore, #tpu.memory_space<semaphore_mem>>) src(%arg4 : memref<128xf32, #tpu.memory_space<hbm>>) dst(%arg9 : memref<128xf32, #tpu.memory_space<vmem>>)
        tpu.yield
      }) : () -> ()
      "tpu.region"() ({
        %run_scoped3A = tpu.sem_alloc : memref<!tpu.dma_semaphore, #tpu.memory_space<semaphore_mem>>
        tpu.enqueue_dma source(%arg5 : memref<16xf32, #tpu.memory_space<hbm>>) target(%arg10 : memref<16xf32, #tpu.memory_space<vmem>>) target_semaphore(%run_scoped3A : memref<!tpu.dma_semaphore, #tpu.memory_space<semaphore_mem>>)
        tpu.wait_dma2 semaphore(%run_scoped3A : memref<!tpu.dma_semaphore, #tpu.memory_space<semaphore_mem>>) src(%arg5 : memref<16xf32, #tpu.memory_space<hbm>>) dst(%arg10 : memref<16xf32, #tpu.memory_space<vmem>>)
        tpu.yield
      }) : () -> ()
      %get3A = arith.constant 0 : index
      %get3A_21 = tpu.vector_load %arg10[%get3A] {strides = array<i32>} : memref<16xf32, #tpu.memory_space<vmem>>, vector<16xf32>,
      %eq3A_22 = arith.constant 0.000000e+00 : f32
      %eq3A_23 = vector.broadcast %eq3A_22 : f32 to vector<16xf32>
      %eq3A_24 = arith.cmpf oeq, %get3A_21, %eq3A_23 : vector<16xf32>
      %dma_wait3A = arith.constant 0 : i32
      %dma_wait3A_25 = tpu.memref_slice %arg7[%dma_wait3A] : memref<35072xf32, #tpu.memory_space<vmem>> -> memref<35072xf32, #tpu.memory_space<vmem>>
      %dma_wait3A_26 = tpu.memref_slice %arg2[%mul3A_15] : memref<1000000xf32, #tpu.memory_space<hbm>> -> memref<35072xf32, #tpu.memory_space<hbm>>
      %dma_wait3A_27 = arith.constant 0 : i32
      %dma_wait3A_28 = tpu.memref_slice %arg7[%dma_wait3A_27] : memref<35072xf32, #tpu.memory_space<vmem>> -> memref<35072xf32, #tpu.memory_space<vmem>>
      %dma_wait3A_29 = tpu.memref_slice %arg2[%mul3A_15] : memref<1000000xf32, #tpu.memory_space<hbm>> -> memref<35072xf32, #tpu.memory_space<hbm>>
      tpu.wait_dma2 semaphore(%arg11 : memref<!tpu.dma_semaphore, #tpu.memory_space<semaphore_mem>>) src(%dma_wait3A_29 : memref<35072xf32, #tpu.memory_space<hbm>>) dst(%dma_wait3A_28 : memref<35072xf32, #tpu.memory_space<vmem>>)
      %get3A_30 = arith.constant 0 : index
      %get3A_31 = tpu.vector_load %arg8[%get3A_30] {strides = array<i32>} : memref<128xi32, #tpu.memory_space<vmem>>, vector<16xi32>,
      %get3A_32 = arith.constant 0 : index
      %get3A_33 = tpu.vector_load %arg9[%get3A_32] {strides = array<i32>} : memref<128xf32, #tpu.memory_space<vmem>>, vector<16xf32>,
      %broadcast_in_dim3A = arith.constant 0.000000e+00 : f32
      %broadcast_in_dim3A_34 = vector.broadcast %broadcast_in_dim3A : f32 to vector<16xf32>
      %select_n3A = arith.select %eq3A_24, %get3A_33, %broadcast_in_dim3A_34 : vector<16xi1>, vector<16xf32>
      %sub3A = vector.broadcast %mul3A_15 : i32 to vector<16xi32>
      %sub3A_35 = arith.subi %get3A_31, %sub3A : vector<16xi32>
      %ge3A = arith.constant 0 : i32
      %ge3A_36 = vector.broadcast %ge3A : i32 to vector<16xi32>
      %ge3A_37 = arith.cmpi sge, %sub3A_35, %ge3A_36 : vector<16xi32>
      %lt3A_38 = arith.constant 35072 : i32
      %lt3A_39 = vector.broadcast %lt3A_38 : i32 to vector<16xi32>
      %lt3A_40 = arith.cmpi slt, %sub3A_35, %lt3A_39 : vector<16xi32>
      %and3A_41 = arith.andi %ge3A_37, %lt3A_40 : vector<16xi1>
      %max3A = arith.constant 0 : i32
      %max3A_42 = vector.broadcast %max3A : i32 to vector<16xi32>
      %max3A_43 = arith.maxsi %sub3A_35, %max3A_42 : vector<16xi32>
      %min3A = arith.constant 35071 : i32
      %min3A_44 = vector.broadcast %min3A : i32 to vector<16xi32>
      %min3A_45 = arith.minsi %max3A_43, %min3A_44 : vector<16xi32>
      %scatter3A = arith.constant 0 : i32
      %scatter3A_46 = tpu.memref_slice %arg7[%scatter3A] : memref<35072xf32, #tpu.memory_space<vmem>> -> memref<35072xf32, #tpu.memory_space<vmem>>
      tpu.vector_store_idx %scatter3A_46[%min3A_45], %select_n3A masked %and3A_41 {add = true} : memref<35072xf32, #tpu.memory_space<vmem>>[vector<16xi32>], vector<16xf32>, vector<16xi1>
      %get3A_47 = arith.constant 16 : index
      %get3A_48 = tpu.vector_load %arg8[%get3A_47] {strides = array<i32>} : memref<128xi32, #tpu.memory_space<vmem>>, vector<16xi32>,
      %get3A_49 = arith.constant 16 : index
      %get3A_50 = tpu.vector_load %arg9[%get3A_49] {strides = array<i32>} : memref<128xf32, #tpu.memory_space<vmem>>, vector<16xf32>,
      %broadcast_in_dim3A_51 = arith.constant 0.000000e+00 : f32
      %broadcast_in_dim3A_52 = vector.broadcast %broadcast_in_dim3A_51 : f32 to vector<16xf32>
      %select_n3A_53 = arith.select %eq3A_24, %get3A_50, %broadcast_in_dim3A_52 : vector<16xi1>, vector<16xf32>
      %sub3A_54 = vector.broadcast %mul3A_15 : i32 to vector<16xi32>
      %sub3A_55 = arith.subi %get3A_48, %sub3A_54 : vector<16xi32>
      %ge3A_56 = arith.constant 0 : i32
      %ge3A_57 = vector.broadcast %ge3A_56 : i32 to vector<16xi32>
      %ge3A_58 = arith.cmpi sge, %sub3A_55, %ge3A_57 : vector<16xi32>
      %lt3A_59 = arith.constant 35072 : i32
      %lt3A_60 = vector.broadcast %lt3A_59 : i32 to vector<16xi32>
      %lt3A_61 = arith.cmpi slt, %sub3A_55, %lt3A_60 : vector<16xi32>
      %and3A_62 = arith.andi %ge3A_58, %lt3A_61 : vector<16xi1>
      %max3A_63 = arith.constant 0 : i32
      %max3A_64 = vector.broadcast %max3A_63 : i32 to vector<16xi32>
      %max3A_65 = arith.maxsi %sub3A_55, %max3A_64 : vector<16xi32>
      %min3A_66 = arith.constant 35071 : i32
      %min3A_67 = vector.broadcast %min3A_66 : i32 to vector<16xi32>
      %min3A_68 = arith.minsi %max3A_65, %min3A_67 : vector<16xi32>
      %scatter3A_69 = arith.constant 0 : i32
      %scatter3A_70 = tpu.memref_slice %arg7[%scatter3A_69] : memref<35072xf32, #tpu.memory_space<vmem>> -> memref<35072xf32, #tpu.memory_space<vmem>>
      tpu.vector_store_idx %scatter3A_70[%min3A_68], %select_n3A_53 masked %and3A_62 {add = true} : memref<35072xf32, #tpu.memory_space<vmem>>[vector<16xi32>], vector<16xf32>, vector<16xi1>
      %get3A_71 = arith.constant 32 : index
      %get3A_72 = tpu.vector_load %arg8[%get3A_71] {strides = array<i32>} : memref<128xi32, #tpu.memory_space<vmem>>, vector<16xi32>,
      %get3A_73 = arith.constant 32 : index
      %get3A_74 = tpu.vector_load %arg9[%get3A_73] {strides = array<i32>} : memref<128xf32, #tpu.memory_space<vmem>>, vector<16xf32>,
      %broadcast_in_dim3A_75 = arith.constant 0.000000e+00 : f32
      %broadcast_in_dim3A_76 = vector.broadcast %broadcast_in_dim3A_75 : f32 to vector<16xf32>
      %select_n3A_77 = arith.select %eq3A_24, %get3A_74, %broadcast_in_dim3A_76 : vector<16xi1>, vector<16xf32>
      %sub3A_78 = vector.broadcast %mul3A_15 : i32 to vector<16xi32>
      %sub3A_79 = arith.subi %get3A_72, %sub3A_78 : vector<16xi32>
      %ge3A_80 = arith.constant 0 : i32
      %ge3A_81 = vector.broadcast %ge3A_80 : i32 to vector<16xi32>
      %ge3A_82 = arith.cmpi sge, %sub3A_79, %ge3A_81 : vector<16xi32>
      %lt3A_83 = arith.constant 35072 : i32
      %lt3A_84 = vector.broadcast %lt3A_83 : i32 to vector<16xi32>
      %lt3A_85 = arith.cmpi slt, %sub3A_79, %lt3A_84 : vector<16xi32>
      %and3A_86 = arith.andi %ge3A_82, %lt3A_85 : vector<16xi1>
      %max3A_87 = arith.constant 0 : i32
      %max3A_88 = vector.broadcast %max3A_87 : i32 to vector<16xi32>
      %max3A_89 = arith.maxsi %sub3A_79, %max3A_88 : vector<16xi32>
      %min3A_90 = arith.constant 35071 : i32
      %min3A_91 = vector.broadcast %min3A_90 : i32 to vector<16xi32>
      %min3A_92 = arith.minsi %max3A_89, %min3A_91 : vector<16xi32>
      %scatter3A_93 = arith.constant 0 : i32
      %scatter3A_94 = tpu.memref_slice %arg7[%scatter3A_93] : memref<35072xf32, #tpu.memory_space<vmem>> -> memref<35072xf32, #tpu.memory_space<vmem>>
      tpu.vector_store_idx %scatter3A_94[%min3A_92], %select_n3A_77 masked %and3A_86 {add = true} : memref<35072xf32, #tpu.memory_space<vmem>>[vector<16xi32>], vector<16xf32>, vector<16xi1>
      %get3A_95 = arith.constant 48 : index
      %get3A_96 = tpu.vector_load %arg8[%get3A_95] {strides = array<i32>} : memref<128xi32, #tpu.memory_space<vmem>>, vector<16xi32>,
      %get3A_97 = arith.constant 48 : index
      %get3A_98 = tpu.vector_load %arg9[%get3A_97] {strides = array<i32>} : memref<128xf32, #tpu.memory_space<vmem>>, vector<16xf32>,
      %broadcast_in_dim3A_99 = arith.constant 0.000000e+00 : f32
      %broadcast_in_dim3A_100 = vector.broadcast %broadcast_in_dim3A_99 : f32 to vector<16xf32>
      %select_n3A_101 = arith.select %eq3A_24, %get3A_98, %broadcast_in_dim3A_100 : vector<16xi1>, vector<16xf32>
      %sub3A_102 = vector.broadcast %mul3A_15 : i32 to vector<16xi32>
      %sub3A_103 = arith.subi %get3A_96, %sub3A_102 : vector<16xi32>
      %ge3A_104 = arith.constant 0 : i32
      %ge3A_105 = vector.broadcast %ge3A_104 : i32 to vector<16xi32>
      %ge3A_106 = arith.cmpi sge, %sub3A_103, %ge3A_105 : vector<16xi32>
      %lt3A_107 = arith.constant 35072 : i32
      %lt3A_108 = vector.broadcast %lt3A_107 : i32 to vector<16xi32>
      %lt3A_109 = arith.cmpi slt, %sub3A_103, %lt3A_108 : vector<16xi32>
      %and3A_110 = arith.andi %ge3A_106, %lt3A_109 : vector<16xi1>
      %max3A_111 = arith.constant 0 : i32
      %max3A_112 = vector.broadcast %max3A_111 : i32 to vector<16xi32>
      %max3A_113 = arith.maxsi %sub3A_103, %max3A_112 : vector<16xi32>
      %min3A_114 = arith.constant 35071 : i32
      %min3A_115 = vector.broadcast %min3A_114 : i32 to vector<16xi32>
      %min3A_116 = arith.minsi %max3A_113, %min3A_115 : vector<16xi32>
      %scatter3A_117 = arith.constant 0 : i32
      %scatter3A_118 = tpu.memref_slice %arg7[%scatter3A_117] : memref<35072xf32, #tpu.memory_space<vmem>> -> memref<35072xf32, #tpu.memory_space<vmem>>
      tpu.vector_store_idx %scatter3A_118[%min3A_116], %select_n3A_101 masked %and3A_110 {add = true} : memref<35072xf32, #tpu.memory_space<vmem>>[vector<16xi32>], vector<16xf32>, vector<16xi1>
      %get3A_119 = arith.constant 64 : index
      %get3A_120 = tpu.vector_load %arg8[%get3A_119] {strides = array<i32>} : memref<128xi32, #tpu.memory_space<vmem>>, vector<16xi32>,
      %get3A_121 = arith.constant 64 : index
      %get3A_122 = tpu.vector_load %arg9[%get3A_121] {strides = array<i32>} : memref<128xf32, #tpu.memory_space<vmem>>, vector<16xf32>,
      %broadcast_in_dim3A_123 = arith.constant 0.000000e+00 : f32
      %broadcast_in_dim3A_124 = vector.broadcast %broadcast_in_dim3A_123 : f32 to vector<16xf32>
      %select_n3A_125 = arith.select %eq3A_24, %get3A_122, %broadcast_in_dim3A_124 : vector<16xi1>, vector<16xf32>
      %sub3A_126 = vector.broadcast %mul3A_15 : i32 to vector<16xi32>
      %sub3A_127 = arith.subi %get3A_120, %sub3A_126 : vector<16xi32>
      %ge3A_128 = arith.constant 0 : i32
      %ge3A_129 = vector.broadcast %ge3A_128 : i32 to vector<16xi32>
      %ge3A_130 = arith.cmpi sge, %sub3A_127, %ge3A_129 : vector<16xi32>
      %lt3A_131 = arith.constant 35072 : i32
      %lt3A_132 = vector.broadcast %lt3A_131 : i32 to vector<16xi32>
      %lt3A_133 = arith.cmpi slt, %sub3A_127, %lt3A_132 : vector<16xi32>
      %and3A_134 = arith.andi %ge3A_130, %lt3A_133 : vector<16xi1>
      %max3A_135 = arith.constant 0 : i32
      %max3A_136 = vector.broadcast %max3A_135 : i32 to vector<16xi32>
      %max3A_137 = arith.maxsi %sub3A_127, %max3A_136 : vector<16xi32>
      %min3A_138 = arith.constant 35071 : i32
      %min3A_139 = vector.broadcast %min3A_138 : i32 to vector<16xi32>
      %min3A_140 = arith.minsi %max3A_137, %min3A_139 : vector<16xi32>
      %scatter3A_141 = arith.constant 0 : i32
      %scatter3A_142 = tpu.memref_slice %arg7[%scatter3A_141] : memref<35072xf32, #tpu.memory_space<vmem>> -> memref<35072xf32, #tpu.memory_space<vmem>>
      tpu.vector_store_idx %scatter3A_142[%min3A_140], %select_n3A_125 masked %and3A_134 {add = true} : memref<35072xf32, #tpu.memory_space<vmem>>[vector<16xi32>], vector<16xf32>, vector<16xi1>
      %get3A_143 = arith.constant 80 : index
      %get3A_144 = tpu.vector_load %arg8[%get3A_143] {strides = array<i32>} : memref<128xi32, #tpu.memory_space<vmem>>, vector<16xi32>,
      %get3A_145 = arith.constant 80 : index
      %get3A_146 = tpu.vector_load %arg9[%get3A_145] {strides = array<i32>} : memref<128xf32, #tpu.memory_space<vmem>>, vector<16xf32>,
      %broadcast_in_dim3A_147 = arith.constant 0.000000e+00 : f32
      %broadcast_in_dim3A_148 = vector.broadcast %broadcast_in_dim3A_147 : f32 to vector<16xf32>
      %select_n3A_149 = arith.select %eq3A_24, %get3A_146, %broadcast_in_dim3A_148 : vector<16xi1>, vector<16xf32>
      %sub3A_150 = vector.broadcast %mul3A_15 : i32 to vector<16xi32>
      %sub3A_151 = arith.subi %get3A_144, %sub3A_150 : vector<16xi32>
      %ge3A_152 = arith.constant 0 : i32
      %ge3A_153 = vector.broadcast %ge3A_152 : i32 to vector<16xi32>
      %ge3A_154 = arith.cmpi sge, %sub3A_151, %ge3A_153 : vector<16xi32>
      %lt3A_155 = arith.constant 35072 : i32
      %lt3A_156 = vector.broadcast %lt3A_155 : i32 to vector<16xi32>
      %lt3A_157 = arith.cmpi slt, %sub3A_151, %lt3A_156 : vector<16xi32>
      %and3A_158 = arith.andi %ge3A_154, %lt3A_157 : vector<16xi1>
      %max3A_159 = arith.constant 0 : i32
      %max3A_160 = vector.broadcast %max3A_159 : i32 to vector<16xi32>
      %max3A_161 = arith.maxsi %sub3A_151, %max3A_160 : vector<16xi32>
      %min3A_162 = arith.constant 35071 : i32
      %min3A_163 = vector.broadcast %min3A_162 : i32 to vector<16xi32>
      %min3A_164 = arith.minsi %max3A_161, %min3A_163 : vector<16xi32>
      %scatter3A_165 = arith.constant 0 : i32
      %scatter3A_166 = tpu.memref_slice %arg7[%scatter3A_165] : memref<35072xf32, #tpu.memory_space<vmem>> -> memref<35072xf32, #tpu.memory_space<vmem>>
      tpu.vector_store_idx %scatter3A_166[%min3A_164], %select_n3A_149 masked %and3A_158 {add = true} : memref<35072xf32, #tpu.memory_space<vmem>>[vector<16xi32>], vector<16xf32>, vector<16xi1>
      %get3A_167 = arith.constant 96 : index
      %get3A_168 = tpu.vector_load %arg8[%get3A_167] {strides = array<i32>} : memref<128xi32, #tpu.memory_space<vmem>>, vector<16xi32>,
      %get3A_169 = arith.constant 96 : index
      %get3A_170 = tpu.vector_load %arg9[%get3A_169] {strides = array<i32>} : memref<128xf32, #tpu.memory_space<vmem>>, vector<16xf32>,
      %broadcast_in_dim3A_171 = arith.constant 0.000000e+00 : f32
      %broadcast_in_dim3A_172 = vector.broadcast %broadcast_in_dim3A_171 : f32 to vector<16xf32>
      %select_n3A_173 = arith.select %eq3A_24, %get3A_170, %broadcast_in_dim3A_172 : vector<16xi1>, vector<16xf32>
      %sub3A_174 = vector.broadcast %mul3A_15 : i32 to vector<16xi32>
      %sub3A_175 = arith.subi %get3A_168, %sub3A_174 : vector<16xi32>
      %ge3A_176 = arith.constant 0 : i32
      %ge3A_177 = vector.broadcast %ge3A_176 : i32 to vector<16xi32>
      %ge3A_178 = arith.cmpi sge, %sub3A_175, %ge3A_177 : vector<16xi32>
      %lt3A_179 = arith.constant 35072 : i32
      %lt3A_180 = vector.broadcast %lt3A_179 : i32 to vector<16xi32>
      %lt3A_181 = arith.cmpi slt, %sub3A_175, %lt3A_180 : vector<16xi32>
      %and3A_182 = arith.andi %ge3A_178, %lt3A_181 : vector<16xi1>
      %max3A_183 = arith.constant 0 : i32
      %max3A_184 = vector.broadcast %max3A_183 : i32 to vector<16xi32>
      %max3A_185 = arith.maxsi %sub3A_175, %max3A_184 : vector<16xi32>
      %min3A_186 = arith.constant 35071 : i32
      %min3A_187 = vector.broadcast %min3A_186 : i32 to vector<16xi32>
      %min3A_188 = arith.minsi %max3A_185, %min3A_187 : vector<16xi32>
      %scatter3A_189 = arith.constant 0 : i32
      %scatter3A_190 = tpu.memref_slice %arg7[%scatter3A_189] : memref<35072xf32, #tpu.memory_space<vmem>> -> memref<35072xf32, #tpu.memory_space<vmem>>
      tpu.vector_store_idx %scatter3A_190[%min3A_188], %select_n3A_173 masked %and3A_182 {add = true} : memref<35072xf32, #tpu.memory_space<vmem>>[vector<16xi32>], vector<16xf32>, vector<16xi1>
      %get3A_191 = arith.constant 112 : index
      %get3A_192 = tpu.vector_load %arg8[%get3A_191] {strides = array<i32>} : memref<128xi32, #tpu.memory_space<vmem>>, vector<16xi32>,
      %get3A_193 = arith.constant 112 : index
      %get3A_194 = tpu.vector_load %arg9[%get3A_193] {strides = array<i32>} : memref<128xf32, #tpu.memory_space<vmem>>, vector<16xf32>,
      %broadcast_in_dim3A_195 = arith.constant 0.000000e+00 : f32
      %broadcast_in_dim3A_196 = vector.broadcast %broadcast_in_dim3A_195 : f32 to vector<16xf32>
      %select_n3A_197 = arith.select %eq3A_24, %get3A_194, %broadcast_in_dim3A_196 : vector<16xi1>, vector<16xf32>
      %sub3A_198 = vector.broadcast %mul3A_15 : i32 to vector<16xi32>
      %sub3A_199 = arith.subi %get3A_192, %sub3A_198 : vector<16xi32>
      %ge3A_200 = arith.constant 0 : i32
      %ge3A_201 = vector.broadcast %ge3A_200 : i32 to vector<16xi32>
      %ge3A_202 = arith.cmpi sge, %sub3A_199, %ge3A_201 : vector<16xi32>
      %lt3A_203 = arith.constant 35072 : i32
      %lt3A_204 = vector.broadcast %lt3A_203 : i32 to vector<16xi32>
      %lt3A_205 = arith.cmpi slt, %sub3A_199, %lt3A_204 : vector<16xi32>
      %and3A_206 = arith.andi %ge3A_202, %lt3A_205 : vector<16xi1>
      %max3A_207 = arith.constant 0 : i32
      %max3A_208 = vector.broadcast %max3A_207 : i32 to vector<16xi32>
      %max3A_209 = arith.maxsi %sub3A_199, %max3A_208 : vector<16xi32>
      %min3A_210 = arith.constant 35071 : i32
      %min3A_211 = vector.broadcast %min3A_210 : i32 to vector<16xi32>
      %min3A_212 = arith.minsi %max3A_209, %min3A_211 : vector<16xi32>
      %scatter3A_213 = arith.constant 0 : i32
      %scatter3A_214 = tpu.memref_slice %arg7[%scatter3A_213] : memref<35072xf32, #tpu.memory_space<vmem>> -> memref<35072xf32, #tpu.memory_space<vmem>>
      tpu.vector_store_idx %scatter3A_214[%min3A_212], %select_n3A_197 masked %and3A_206 {add = true} : memref<35072xf32, #tpu.memory_space<vmem>>[vector<16xi32>], vector<16xf32>, vector<16xi1>
      %dma_start3A_215 = arith.constant 0 : i32
      %dma_start3A_216 = tpu.memref_slice %arg7[%dma_start3A_215] : memref<35072xf32, #tpu.memory_space<vmem>> -> memref<35072xf32, #tpu.memory_space<vmem>>
      %dma_start3A_217 = tpu.memref_slice %arg6[%mul3A_15] : memref<1000000xf32, #tpu.memory_space<hbm>> -> memref<35072xf32, #tpu.memory_space<hbm>>
      %dma_start3A_218 = tpu.memref_slice %arg6[%mul3A_15] : memref<1000000xf32, #tpu.memory_space<hbm>> -> memref<35072xf32, #tpu.memory_space<hbm>>
      %dma_start3A_219 = arith.constant 0 : i32
      %dma_start3A_220 = tpu.memref_slice %arg7[%dma_start3A_219] : memref<35072xf32, #tpu.memory_space<vmem>> -> memref<35072xf32, #tpu.memory_space<vmem>>
      tpu.enqueue_dma source(%dma_start3A_220 : memref<35072xf32, #tpu.memory_space<vmem>>) target(%dma_start3A_218 : memref<35072xf32, #tpu.memory_space<hbm>>) target_semaphore(%arg11 : memref<!tpu.dma_semaphore, #tpu.memory_space<semaphore_mem>>)
      %dma_wait3A_221 = arith.constant 0 : i32
      %dma_wait3A_222 = tpu.memref_slice %arg7[%dma_wait3A_221] : memref<35072xf32, #tpu.memory_space<vmem>> -> memref<35072xf32, #tpu.memory_space<vmem>>
      %dma_wait3A_223 = tpu.memref_slice %arg6[%mul3A_15] : memref<1000000xf32, #tpu.memory_space<hbm>> -> memref<35072xf32, #tpu.memory_space<hbm>>
      %dma_wait3A_224 = tpu.memref_slice %arg6[%mul3A_15] : memref<1000000xf32, #tpu.memory_space<hbm>> -> memref<35072xf32, #tpu.memory_space<hbm>>
      %dma_wait3A_225 = arith.constant 0 : i32
      %dma_wait3A_226 = tpu.memref_slice %arg7[%dma_wait3A_225] : memref<35072xf32, #tpu.memory_space<vmem>> -> memref<35072xf32, #tpu.memory_space<vmem>>
      tpu.wait_dma2 semaphore(%arg11 : memref<!tpu.dma_semaphore, #tpu.memory_space<semaphore_mem>>) src(%dma_wait3A_226 : memref<35072xf32, #tpu.memory_space<vmem>>) dst(%dma_wait3A_224 : memref<35072xf32, #tpu.memory_space<hbm>>)
    } else {
    }
    %ne3A = arith.constant 1 : i32
    %ne3A_2 = arith.cmpi ne, %arg0, %ne3A : i32
    %lt3A = arith.constant 15 : i32
    %lt3A_3 = arith.cmpi slt, %arg1, %lt3A : i32
    %and3A = arith.andi %ne3A_2, %lt3A_3 : i1
    %convert_element_type3A_4 = arith.extui %and3A : i1 to i32
    %cond3A_5 = arith.constant 0 : i32
    %cond3A_6 = arith.cmpi ne, %convert_element_type3A_4, %cond3A_5 : i32
    scf.if %cond3A_6 {
      %mul3A = arith.constant 27392 : i32
      %mul3A_15 = arith.muli %arg1, %mul3A : i32
      %add3A = arith.constant 561152 : i32
      %add3A_16 = arith.addi %add3A, %mul3A_15 : i32
      %dma_start3A = arith.constant 0 : i32
      %dma_start3A_17 = tpu.memref_slice %arg7[%dma_start3A] : memref<35072xf32, #tpu.memory_space<vmem>> -> memref<27392xf32, #tpu.memory_space<vmem>>
      %dma_start3A_18 = tpu.memref_slice %arg2[%add3A_16] : memref<1000000xf32, #tpu.memory_space<hbm>> -> memref<27392xf32, #tpu.memory_space<hbm>>
      %dma_start3A_19 = arith.constant 0 : i32
      %dma_start3A_20 = tpu.memref_slice %arg7[%dma_start3A_19] : memref<35072xf32, #tpu.memory_space<vmem>> -> memref<27392xf32, #tpu.memory_space<vmem>>
      %dma_start3A_21 = tpu.memref_slice %arg2[%add3A_16] : memref<1000000xf32, #tpu.memory_space<hbm>> -> memref<27392xf32, #tpu.memory_space<hbm>>
      tpu.enqueue_dma source(%dma_start3A_21 : memref<27392xf32, #tpu.memory_space<hbm>>) target(%dma_start3A_20 : memref<27392xf32, #tpu.memory_space<vmem>>) target_semaphore(%arg11 : memref<!tpu.dma_semaphore, #tpu.memory_space<semaphore_mem>>)
      "tpu.region"() ({
        %run_scoped3A = tpu.sem_alloc : memref<!tpu.dma_semaphore, #tpu.memory_space<semaphore_mem>>
        tpu.enqueue_dma source(%arg3 : memref<128xi32, #tpu.memory_space<hbm>>) target(%arg8 : memref<128xi32, #tpu.memory_space<vmem>>) target_semaphore(%run_scoped3A : memref<!tpu.dma_semaphore, #tpu.memory_space<semaphore_mem>>)
        tpu.wait_dma2 semaphore(%run_scoped3A : memref<!tpu.dma_semaphore, #tpu.memory_space<semaphore_mem>>) src(%arg3 : memref<128xi32, #tpu.memory_space<hbm>>) dst(%arg8 : memref<128xi32, #tpu.memory_space<vmem>>)
        tpu.yield
      }) : () -> ()
      "tpu.region"() ({
        %run_scoped3A = tpu.sem_alloc : memref<!tpu.dma_semaphore, #tpu.memory_space<semaphore_mem>>
        tpu.enqueue_dma source(%arg4 : memref<128xf32, #tpu.memory_space<hbm>>) target(%arg9 : memref<128xf32, #tpu.memory_space<vmem>>) target_semaphore(%run_scoped3A : memref<!tpu.dma_semaphore, #tpu.memory_space<semaphore_mem>>)
        tpu.wait_dma2 semaphore(%run_scoped3A : memref<!tpu.dma_semaphore, #tpu.memory_space<semaphore_mem>>) src(%arg4 : memref<128xf32, #tpu.memory_space<hbm>>) dst(%arg9 : memref<128xf32, #tpu.memory_space<vmem>>)
        tpu.yield
      }) : () -> ()
      "tpu.region"() ({
        %run_scoped3A = tpu.sem_alloc : memref<!tpu.dma_semaphore, #tpu.memory_space<semaphore_mem>>
        tpu.enqueue_dma source(%arg5 : memref<16xf32, #tpu.memory_space<hbm>>) target(%arg10 : memref<16xf32, #tpu.memory_space<vmem>>) target_semaphore(%run_scoped3A : memref<!tpu.dma_semaphore, #tpu.memory_space<semaphore_mem>>)
        tpu.wait_dma2 semaphore(%run_scoped3A : memref<!tpu.dma_semaphore, #tpu.memory_space<semaphore_mem>>) src(%arg5 : memref<16xf32, #tpu.memory_space<hbm>>) dst(%arg10 : memref<16xf32, #tpu.memory_space<vmem>>)
        tpu.yield
      }) : () -> ()
      %get3A = arith.constant 0 : index
      %get3A_22 = tpu.vector_load %arg10[%get3A] {strides = array<i32>} : memref<16xf32, #tpu.memory_space<vmem>>, vector<16xf32>,
      %eq3A_23 = arith.constant 0.000000e+00 : f32
      %eq3A_24 = vector.broadcast %eq3A_23 : f32 to vector<16xf32>
      %eq3A_25 = arith.cmpf oeq, %get3A_22, %eq3A_24 : vector<16xf32>
      %dma_wait3A = arith.constant 0 : i32
      %dma_wait3A_26 = tpu.memref_slice %arg7[%dma_wait3A] : memref<35072xf32, #tpu.memory_space<vmem>> -> memref<27392xf32, #tpu.memory_space<vmem>>
      %dma_wait3A_27 = tpu.memref_slice %arg2[%add3A_16] : memref<1000000xf32, #tpu.memory_space<hbm>> -> memref<27392xf32, #tpu.memory_space<hbm>>
      %dma_wait3A_28 = arith.constant 0 : i32
      %dma_wait3A_29 = tpu.memref_slice %arg7[%dma_wait3A_28] : memref<35072xf32, #tpu.memory_space<vmem>> -> memref<27392xf32, #tpu.memory_space<vmem>>
      %dma_wait3A_30 = tpu.memref_slice %arg2[%add3A_16] : memref<1000000xf32, #tpu.memory_space<hbm>> -> memref<27392xf32, #tpu.memory_space<hbm>>
      tpu.wait_dma2 semaphore(%arg11 : memref<!tpu.dma_semaphore, #tpu.memory_space<semaphore_mem>>) src(%dma_wait3A_30 : memref<27392xf32, #tpu.memory_space<hbm>>) dst(%dma_wait3A_29 : memref<27392xf32, #tpu.memory_space<vmem>>)
      %get3A_31 = arith.constant 0 : index
      %get3A_32 = tpu.vector_load %arg8[%get3A_31] {strides = array<i32>} : memref<128xi32, #tpu.memory_space<vmem>>, vector<16xi32>,
      %get3A_33 = arith.constant 0 : index
      %get3A_34 = tpu.vector_load %arg9[%get3A_33] {strides = array<i32>} : memref<128xf32, #tpu.memory_space<vmem>>, vector<16xf32>,
      %broadcast_in_dim3A = arith.constant 0.000000e+00 : f32
      %broadcast_in_dim3A_35 = vector.broadcast %broadcast_in_dim3A : f32 to vector<16xf32>
      %select_n3A = arith.select %eq3A_25, %get3A_34, %broadcast_in_dim3A_35 : vector<16xi1>, vector<16xf32>
      %sub3A = vector.broadcast %add3A_16 : i32 to vector<16xi32>
      %sub3A_36 = arith.subi %get3A_32, %sub3A : vector<16xi32>
      %ge3A = arith.constant 0 : i32
      %ge3A_37 = vector.broadcast %ge3A : i32 to vector<16xi32>
      %ge3A_38 = arith.cmpi sge, %sub3A_36, %ge3A_37 : vector<16xi32>
      %lt3A_39 = arith.constant 27392 : i32
      %lt3A_40 = vector.broadcast %lt3A_39 : i32 to vector<16xi32>
      %lt3A_41 = arith.cmpi slt, %sub3A_36, %lt3A_40 : vector<16xi32>
      %and3A_42 = arith.andi %ge3A_38, %lt3A_41 : vector<16xi1>
      %max3A = arith.constant 0 : i32
      %max3A_43 = vector.broadcast %max3A : i32 to vector<16xi32>
      %max3A_44 = arith.maxsi %sub3A_36, %max3A_43 : vector<16xi32>
      %min3A = arith.constant 27391 : i32
      %min3A_45 = vector.broadcast %min3A : i32 to vector<16xi32>
      %min3A_46 = arith.minsi %max3A_44, %min3A_45 : vector<16xi32>
      %scatter3A = arith.constant 0 : i32
      %scatter3A_47 = tpu.memref_slice %arg7[%scatter3A] : memref<35072xf32, #tpu.memory_space<vmem>> -> memref<27392xf32, #tpu.memory_space<vmem>>
      tpu.vector_store_idx %scatter3A_47[%min3A_46], %select_n3A masked %and3A_42 {add = true} : memref<27392xf32, #tpu.memory_space<vmem>>[vector<16xi32>], vector<16xf32>, vector<16xi1>
      %get3A_48 = arith.constant 16 : index
      %get3A_49 = tpu.vector_load %arg8[%get3A_48] {strides = array<i32>} : memref<128xi32, #tpu.memory_space<vmem>>, vector<16xi32>,
      %get3A_50 = arith.constant 16 : index
      %get3A_51 = tpu.vector_load %arg9[%get3A_50] {strides = array<i32>} : memref<128xf32, #tpu.memory_space<vmem>>, vector<16xf32>,
      %broadcast_in_dim3A_52 = arith.constant 0.000000e+00 : f32
      %broadcast_in_dim3A_53 = vector.broadcast %broadcast_in_dim3A_52 : f32 to vector<16xf32>
      %select_n3A_54 = arith.select %eq3A_25, %get3A_51, %broadcast_in_dim3A_53 : vector<16xi1>, vector<16xf32>
      %sub3A_55 = vector.broadcast %add3A_16 : i32 to vector<16xi32>
      %sub3A_56 = arith.subi %get3A_49, %sub3A_55 : vector<16xi32>
      %ge3A_57 = arith.constant 0 : i32
      %ge3A_58 = vector.broadcast %ge3A_57 : i32 to vector<16xi32>
      %ge3A_59 = arith.cmpi sge, %sub3A_56, %ge3A_58 : vector<16xi32>
      %lt3A_60 = arith.constant 27392 : i32
      %lt3A_61 = vector.broadcast %lt3A_60 : i32 to vector<16xi32>
      %lt3A_62 = arith.cmpi slt, %sub3A_56, %lt3A_61 : vector<16xi32>
      %and3A_63 = arith.andi %ge3A_59, %lt3A_62 : vector<16xi1>
      %max3A_64 = arith.constant 0 : i32
      %max3A_65 = vector.broadcast %max3A_64 : i32 to vector<16xi32>
      %max3A_66 = arith.maxsi %sub3A_56, %max3A_65 : vector<16xi32>
      %min3A_67 = arith.constant 27391 : i32
      %min3A_68 = vector.broadcast %min3A_67 : i32 to vector<16xi32>
      %min3A_69 = arith.minsi %max3A_66, %min3A_68 : vector<16xi32>
      %scatter3A_70 = arith.constant 0 : i32
      %scatter3A_71 = tpu.memref_slice %arg7[%scatter3A_70] : memref<35072xf32, #tpu.memory_space<vmem>> -> memref<27392xf32, #tpu.memory_space<vmem>>
      tpu.vector_store_idx %scatter3A_71[%min3A_69], %select_n3A_54 masked %and3A_63 {add = true} : memref<27392xf32, #tpu.memory_space<vmem>>[vector<16xi32>], vector<16xf32>, vector<16xi1>
      %get3A_72 = arith.constant 32 : index
      %get3A_73 = tpu.vector_load %arg8[%get3A_72] {strides = array<i32>} : memref<128xi32, #tpu.memory_space<vmem>>, vector<16xi32>,
      %get3A_74 = arith.constant 32 : index
      %get3A_75 = tpu.vector_load %arg9[%get3A_74] {strides = array<i32>} : memref<128xf32, #tpu.memory_space<vmem>>, vector<16xf32>,
      %broadcast_in_dim3A_76 = arith.constant 0.000000e+00 : f32
      %broadcast_in_dim3A_77 = vector.broadcast %broadcast_in_dim3A_76 : f32 to vector<16xf32>
      %select_n3A_78 = arith.select %eq3A_25, %get3A_75, %broadcast_in_dim3A_77 : vector<16xi1>, vector<16xf32>
      %sub3A_79 = vector.broadcast %add3A_16 : i32 to vector<16xi32>
      %sub3A_80 = arith.subi %get3A_73, %sub3A_79 : vector<16xi32>
      %ge3A_81 = arith.constant 0 : i32
      %ge3A_82 = vector.broadcast %ge3A_81 : i32 to vector<16xi32>
      %ge3A_83 = arith.cmpi sge, %sub3A_80, %ge3A_82 : vector<16xi32>
      %lt3A_84 = arith.constant 27392 : i32
      %lt3A_85 = vector.broadcast %lt3A_84 : i32 to vector<16xi32>
      %lt3A_86 = arith.cmpi slt, %sub3A_80, %lt3A_85 : vector<16xi32>
      %and3A_87 = arith.andi %ge3A_83, %lt3A_86 : vector<16xi1>
      %max3A_88 = arith.constant 0 : i32
      %max3A_89 = vector.broadcast %max3A_88 : i32 to vector<16xi32>
      %max3A_90 = arith.maxsi %sub3A_80, %max3A_89 : vector<16xi32>
      %min3A_91 = arith.constant 27391 : i32
      %min3A_92 = vector.broadcast %min3A_91 : i32 to vector<16xi32>
      %min3A_93 = arith.minsi %max3A_90, %min3A_92 : vector<16xi32>
      %scatter3A_94 = arith.constant 0 : i32
      %scatter3A_95 = tpu.memref_slice %arg7[%scatter3A_94] : memref<35072xf32, #tpu.memory_space<vmem>> -> memref<27392xf32, #tpu.memory_space<vmem>>
      tpu.vector_store_idx %scatter3A_95[%min3A_93], %select_n3A_78 masked %and3A_87 {add = true} : memref<27392xf32, #tpu.memory_space<vmem>>[vector<16xi32>], vector<16xf32>, vector<16xi1>
      %get3A_96 = arith.constant 48 : index
      %get3A_97 = tpu.vector_load %arg8[%get3A_96] {strides = array<i32>} : memref<128xi32, #tpu.memory_space<vmem>>, vector<16xi32>,
      %get3A_98 = arith.constant 48 : index
      %get3A_99 = tpu.vector_load %arg9[%get3A_98] {strides = array<i32>} : memref<128xf32, #tpu.memory_space<vmem>>, vector<16xf32>,
      %broadcast_in_dim3A_100 = arith.constant 0.000000e+00 : f32
      %broadcast_in_dim3A_101 = vector.broadcast %broadcast_in_dim3A_100 : f32 to vector<16xf32>
      %select_n3A_102 = arith.select %eq3A_25, %get3A_99, %broadcast_in_dim3A_101 : vector<16xi1>, vector<16xf32>
      %sub3A_103 = vector.broadcast %add3A_16 : i32 to vector<16xi32>
      %sub3A_104 = arith.subi %get3A_97, %sub3A_103 : vector<16xi32>
      %ge3A_105 = arith.constant 0 : i32
      %ge3A_106 = vector.broadcast %ge3A_105 : i32 to vector<16xi32>
      %ge3A_107 = arith.cmpi sge, %sub3A_104, %ge3A_106 : vector<16xi32>
      %lt3A_108 = arith.constant 27392 : i32
      %lt3A_109 = vector.broadcast %lt3A_108 : i32 to vector<16xi32>
      %lt3A_110 = arith.cmpi slt, %sub3A_104, %lt3A_109 : vector<16xi32>
      %and3A_111 = arith.andi %ge3A_107, %lt3A_110 : vector<16xi1>
      %max3A_112 = arith.constant 0 : i32
      %max3A_113 = vector.broadcast %max3A_112 : i32 to vector<16xi32>
      %max3A_114 = arith.maxsi %sub3A_104, %max3A_113 : vector<16xi32>
      %min3A_115 = arith.constant 27391 : i32
      %min3A_116 = vector.broadcast %min3A_115 : i32 to vector<16xi32>
      %min3A_117 = arith.minsi %max3A_114, %min3A_116 : vector<16xi32>
      %scatter3A_118 = arith.constant 0 : i32
      %scatter3A_119 = tpu.memref_slice %arg7[%scatter3A_118] : memref<35072xf32, #tpu.memory_space<vmem>> -> memref<27392xf32, #tpu.memory_space<vmem>>
      tpu.vector_store_idx %scatter3A_119[%min3A_117], %select_n3A_102 masked %and3A_111 {add = true} : memref<27392xf32, #tpu.memory_space<vmem>>[vector<16xi32>], vector<16xf32>, vector<16xi1>
      %get3A_120 = arith.constant 64 : index
      %get3A_121 = tpu.vector_load %arg8[%get3A_120] {strides = array<i32>} : memref<128xi32, #tpu.memory_space<vmem>>, vector<16xi32>,
      %get3A_122 = arith.constant 64 : index
      %get3A_123 = tpu.vector_load %arg9[%get3A_122] {strides = array<i32>} : memref<128xf32, #tpu.memory_space<vmem>>, vector<16xf32>,
      %broadcast_in_dim3A_124 = arith.constant 0.000000e+00 : f32
      %broadcast_in_dim3A_125 = vector.broadcast %broadcast_in_dim3A_124 : f32 to vector<16xf32>
      %select_n3A_126 = arith.select %eq3A_25, %get3A_123, %broadcast_in_dim3A_125 : vector<16xi1>, vector<16xf32>
      %sub3A_127 = vector.broadcast %add3A_16 : i32 to vector<16xi32>
      %sub3A_128 = arith.subi %get3A_121, %sub3A_127 : vector<16xi32>
      %ge3A_129 = arith.constant 0 : i32
      %ge3A_130 = vector.broadcast %ge3A_129 : i32 to vector<16xi32>
      %ge3A_131 = arith.cmpi sge, %sub3A_128, %ge3A_130 : vector<16xi32>
      %lt3A_132 = arith.constant 27392 : i32
      %lt3A_133 = vector.broadcast %lt3A_132 : i32 to vector<16xi32>
      %lt3A_134 = arith.cmpi slt, %sub3A_128, %lt3A_133 : vector<16xi32>
      %and3A_135 = arith.andi %ge3A_131, %lt3A_134 : vector<16xi1>
      %max3A_136 = arith.constant 0 : i32
      %max3A_137 = vector.broadcast %max3A_136 : i32 to vector<16xi32>
      %max3A_138 = arith.maxsi %sub3A_128, %max3A_137 : vector<16xi32>
      %min3A_139 = arith.constant 27391 : i32
      %min3A_140 = vector.broadcast %min3A_139 : i32 to vector<16xi32>
      %min3A_141 = arith.minsi %max3A_138, %min3A_140 : vector<16xi32>
      %scatter3A_142 = arith.constant 0 : i32
      %scatter3A_143 = tpu.memref_slice %arg7[%scatter3A_142] : memref<35072xf32, #tpu.memory_space<vmem>> -> memref<27392xf32, #tpu.memory_space<vmem>>
      tpu.vector_store_idx %scatter3A_143[%min3A_141], %select_n3A_126 masked %and3A_135 {add = true} : memref<27392xf32, #tpu.memory_space<vmem>>[vector<16xi32>], vector<16xf32>, vector<16xi1>
      %get3A_144 = arith.constant 80 : index
      %get3A_145 = tpu.vector_load %arg8[%get3A_144] {strides = array<i32>} : memref<128xi32, #tpu.memory_space<vmem>>, vector<16xi32>,
      %get3A_146 = arith.constant 80 : index
      %get3A_147 = tpu.vector_load %arg9[%get3A_146] {strides = array<i32>} : memref<128xf32, #tpu.memory_space<vmem>>, vector<16xf32>,
      %broadcast_in_dim3A_148 = arith.constant 0.000000e+00 : f32
      %broadcast_in_dim3A_149 = vector.broadcast %broadcast_in_dim3A_148 : f32 to vector<16xf32>
      %select_n3A_150 = arith.select %eq3A_25, %get3A_147, %broadcast_in_dim3A_149 : vector<16xi1>, vector<16xf32>
      %sub3A_151 = vector.broadcast %add3A_16 : i32 to vector<16xi32>
      %sub3A_152 = arith.subi %get3A_145, %sub3A_151 : vector<16xi32>
      %ge3A_153 = arith.constant 0 : i32
      %ge3A_154 = vector.broadcast %ge3A_153 : i32 to vector<16xi32>
      %ge3A_155 = arith.cmpi sge, %sub3A_152, %ge3A_154 : vector<16xi32>
      %lt3A_156 = arith.constant 27392 : i32
      %lt3A_157 = vector.broadcast %lt3A_156 : i32 to vector<16xi32>
      %lt3A_158 = arith.cmpi slt, %sub3A_152, %lt3A_157 : vector<16xi32>
      %and3A_159 = arith.andi %ge3A_155, %lt3A_158 : vector<16xi1>
      %max3A_160 = arith.constant 0 : i32
      %max3A_161 = vector.broadcast %max3A_160 : i32 to vector<16xi32>
      %max3A_162 = arith.maxsi %sub3A_152, %max3A_161 : vector<16xi32>
      %min3A_163 = arith.constant 27391 : i32
      %min3A_164 = vector.broadcast %min3A_163 : i32 to vector<16xi32>
      %min3A_165 = arith.minsi %max3A_162, %min3A_164 : vector<16xi32>
      %scatter3A_166 = arith.constant 0 : i32
      %scatter3A_167 = tpu.memref_slice %arg7[%scatter3A_166] : memref<35072xf32, #tpu.memory_space<vmem>> -> memref<27392xf32, #tpu.memory_space<vmem>>
      tpu.vector_store_idx %scatter3A_167[%min3A_165], %select_n3A_150 masked %and3A_159 {add = true} : memref<27392xf32, #tpu.memory_space<vmem>>[vector<16xi32>], vector<16xf32>, vector<16xi1>
      %get3A_168 = arith.constant 96 : index
      %get3A_169 = tpu.vector_load %arg8[%get3A_168] {strides = array<i32>} : memref<128xi32, #tpu.memory_space<vmem>>, vector<16xi32>,
      %get3A_170 = arith.constant 96 : index
      %get3A_171 = tpu.vector_load %arg9[%get3A_170] {strides = array<i32>} : memref<128xf32, #tpu.memory_space<vmem>>, vector<16xf32>,
      %broadcast_in_dim3A_172 = arith.constant 0.000000e+00 : f32
      %broadcast_in_dim3A_173 = vector.broadcast %broadcast_in_dim3A_172 : f32 to vector<16xf32>
      %select_n3A_174 = arith.select %eq3A_25, %get3A_171, %broadcast_in_dim3A_173 : vector<16xi1>, vector<16xf32>
      %sub3A_175 = vector.broadcast %add3A_16 : i32 to vector<16xi32>
      %sub3A_176 = arith.subi %get3A_169, %sub3A_175 : vector<16xi32>
      %ge3A_177 = arith.constant 0 : i32
      %ge3A_178 = vector.broadcast %ge3A_177 : i32 to vector<16xi32>
      %ge3A_179 = arith.cmpi sge, %sub3A_176, %ge3A_178 : vector<16xi32>
      %lt3A_180 = arith.constant 27392 : i32
      %lt3A_181 = vector.broadcast %lt3A_180 : i32 to vector<16xi32>
      %lt3A_182 = arith.cmpi slt, %sub3A_176, %lt3A_181 : vector<16xi32>
      %and3A_183 = arith.andi %ge3A_179, %lt3A_182 : vector<16xi1>
      %max3A_184 = arith.constant 0 : i32
      %max3A_185 = vector.broadcast %max3A_184 : i32 to vector<16xi32>
      %max3A_186 = arith.maxsi %sub3A_176, %max3A_185 : vector<16xi32>
      %min3A_187 = arith.constant 27391 : i32
      %min3A_188 = vector.broadcast %min3A_187 : i32 to vector<16xi32>
      %min3A_189 = arith.minsi %max3A_186, %min3A_188 : vector<16xi32>
      %scatter3A_190 = arith.constant 0 : i32
      %scatter3A_191 = tpu.memref_slice %arg7[%scatter3A_190] : memref<35072xf32, #tpu.memory_space<vmem>> -> memref<27392xf32, #tpu.memory_space<vmem>>
      tpu.vector_store_idx %scatter3A_191[%min3A_189], %select_n3A_174 masked %and3A_183 {add = true} : memref<27392xf32, #tpu.memory_space<vmem>>[vector<16xi32>], vector<16xf32>, vector<16xi1>
      %get3A_192 = arith.constant 112 : index
      %get3A_193 = tpu.vector_load %arg8[%get3A_192] {strides = array<i32>} : memref<128xi32, #tpu.memory_space<vmem>>, vector<16xi32>,
      %get3A_194 = arith.constant 112 : index
      %get3A_195 = tpu.vector_load %arg9[%get3A_194] {strides = array<i32>} : memref<128xf32, #tpu.memory_space<vmem>>, vector<16xf32>,
      %broadcast_in_dim3A_196 = arith.constant 0.000000e+00 : f32
      %broadcast_in_dim3A_197 = vector.broadcast %broadcast_in_dim3A_196 : f32 to vector<16xf32>
      %select_n3A_198 = arith.select %eq3A_25, %get3A_195, %broadcast_in_dim3A_197 : vector<16xi1>, vector<16xf32>
      %sub3A_199 = vector.broadcast %add3A_16 : i32 to vector<16xi32>
      %sub3A_200 = arith.subi %get3A_193, %sub3A_199 : vector<16xi32>
      %ge3A_201 = arith.constant 0 : i32
      %ge3A_202 = vector.broadcast %ge3A_201 : i32 to vector<16xi32>
      %ge3A_203 = arith.cmpi sge, %sub3A_200, %ge3A_202 : vector<16xi32>
      %lt3A_204 = arith.constant 27392 : i32
      %lt3A_205 = vector.broadcast %lt3A_204 : i32 to vector<16xi32>
      %lt3A_206 = arith.cmpi slt, %sub3A_200, %lt3A_205 : vector<16xi32>
      %and3A_207 = arith.andi %ge3A_203, %lt3A_206 : vector<16xi1>
      %max3A_208 = arith.constant 0 : i32
      %max3A_209 = vector.broadcast %max3A_208 : i32 to vector<16xi32>
      %max3A_210 = arith.maxsi %sub3A_200, %max3A_209 : vector<16xi32>
      %min3A_211 = arith.constant 27391 : i32
      %min3A_212 = vector.broadcast %min3A_211 : i32 to vector<16xi32>
      %min3A_213 = arith.minsi %max3A_210, %min3A_212 : vector<16xi32>
      %scatter3A_214 = arith.constant 0 : i32
      %scatter3A_215 = tpu.memref_slice %arg7[%scatter3A_214] : memref<35072xf32, #tpu.memory_space<vmem>> -> memref<27392xf32, #tpu.memory_space<vmem>>
      tpu.vector_store_idx %scatter3A_215[%min3A_213], %select_n3A_198 masked %and3A_207 {add = true} : memref<27392xf32, #tpu.memory_space<vmem>>[vector<16xi32>], vector<16xf32>, vector<16xi1>
      %dma_start3A_216 = arith.constant 0 : i32
      %dma_start3A_217 = tpu.memref_slice %arg7[%dma_start3A_216] : memref<35072xf32, #tpu.memory_space<vmem>> -> memref<27392xf32, #tpu.memory_space<vmem>>
      %dma_start3A_218 = tpu.memref_slice %arg6[%add3A_16] : memref<1000000xf32, #tpu.memory_space<hbm>> -> memref<27392xf32, #tpu.memory_space<hbm>>
      %dma_start3A_219 = tpu.memref_slice %arg6[%add3A_16] : memref<1000000xf32, #tpu.memory_space<hbm>> -> memref<27392xf32, #tpu.memory_space<hbm>>
      %dma_start3A_220 = arith.constant 0 : i32
      %dma_start3A_221 = tpu.memref_slice %arg7[%dma_start3A_220] : memref<35072xf32, #tpu.memory_space<vmem>> -> memref<27392xf32, #tpu.memory_space<vmem>>
      tpu.enqueue_dma source(%dma_start3A_221 : memref<27392xf32, #tpu.memory_space<vmem>>) target(%dma_start3A_219 : memref<27392xf32, #tpu.memory_space<hbm>>) target_semaphore(%arg11 : memref<!tpu.dma_semaphore, #tpu.memory_space<semaphore_mem>>)
      %dma_wait3A_222 = arith.constant 0 : i32
      %dma_wait3A_223 = tpu.memref_slice %arg7[%dma_wait3A_222] : memref<35072xf32, #tpu.memory_space<vmem>> -> memref<27392xf32, #tpu.memory_space<vmem>>
      %dma_wait3A_224 = tpu.memref_slice %arg6[%add3A_16] : memref<1000000xf32, #tpu.memory_space<hbm>> -> memref<27392xf32, #tpu.memory_space<hbm>>
      %dma_wait3A_225 = tpu.memref_slice %arg6[%add3A_16] : memref<1000000xf32, #tpu.memory_space<hbm>> -> memref<27392xf32, #tpu.memory_space<hbm>>
      %dma_wait3A_226 = arith.constant 0 : i32
      %dma_wait3A_227 = tpu.memref_slice %arg7[%dma_wait3A_226] : memref<35072xf32, #tpu.memory_space<vmem>> -> memref<27392xf32, #tpu.memory_space<vmem>>
      tpu.wait_dma2 semaphore(%arg11 : memref<!tpu.dma_semaphore, #tpu.memory_space<semaphore_mem>>) src(%dma_wait3A_227 : memref<27392xf32, #tpu.memory_space<vmem>>) dst(%dma_wait3A_225 : memref<27392xf32, #tpu.memory_space<hbm>>)
    } else {
    }
    %ne3A_7 = arith.constant 1 : i32
    %ne3A_8 = arith.cmpi ne, %arg0, %ne3A_7 : i32
    %eq3A_9 = arith.constant 15 : i32
    %eq3A_10 = arith.cmpi eq, %arg1, %eq3A_9 : i32
    %and3A_11 = arith.andi %ne3A_8, %eq3A_10 : i1
    %convert_element_type3A_12 = arith.extui %and3A_11 : i1 to i32
    %cond3A_13 = arith.constant 0 : i32
    %cond3A_14 = arith.cmpi ne, %convert_element_type3A_12, %cond3A_13 : i32
    scf.if %cond3A_14 {
      %dma_start3A = arith.constant 0 : i32
      %dma_start3A_15 = tpu.memref_slice %arg7[%dma_start3A] : memref<35072xf32, #tpu.memory_space<vmem>> -> memref<27968xf32, #tpu.memory_space<vmem>>
      %dma_start3A_16 = arith.constant 972032 : i32
      %dma_start3A_17 = tpu.memref_slice %arg2[%dma_start3A_16] : memref<1000000xf32, #tpu.memory_space<hbm>> -> memref<27968xf32, #tpu.memory_space<hbm>>
      %dma_start3A_18 = arith.constant 0 : i32
      %dma_start3A_19 = tpu.memref_slice %arg7[%dma_start3A_18] : memref<35072xf32, #tpu.memory_space<vmem>> -> memref<27968xf32, #tpu.memory_space<vmem>>
      %dma_start3A_20 = arith.constant 972032 : i32
      %dma_start3A_21 = tpu.memref_slice %arg2[%dma_start3A_20] : memref<1000000xf32, #tpu.memory_space<hbm>> -> memref<27968xf32, #tpu.memory_space<hbm>>
      tpu.enqueue_dma source(%dma_start3A_21 : memref<27968xf32, #tpu.memory_space<hbm>>) target(%dma_start3A_19 : memref<27968xf32, #tpu.memory_space<vmem>>) target_semaphore(%arg11 : memref<!tpu.dma_semaphore, #tpu.memory_space<semaphore_mem>>)
      "tpu.region"() ({
        %run_scoped3A = tpu.sem_alloc : memref<!tpu.dma_semaphore, #tpu.memory_space<semaphore_mem>>
        tpu.enqueue_dma source(%arg3 : memref<128xi32, #tpu.memory_space<hbm>>) target(%arg8 : memref<128xi32, #tpu.memory_space<vmem>>) target_semaphore(%run_scoped3A : memref<!tpu.dma_semaphore, #tpu.memory_space<semaphore_mem>>)
        tpu.wait_dma2 semaphore(%run_scoped3A : memref<!tpu.dma_semaphore, #tpu.memory_space<semaphore_mem>>) src(%arg3 : memref<128xi32, #tpu.memory_space<hbm>>) dst(%arg8 : memref<128xi32, #tpu.memory_space<vmem>>)
        tpu.yield
      }) : () -> ()
      "tpu.region"() ({
        %run_scoped3A = tpu.sem_alloc : memref<!tpu.dma_semaphore, #tpu.memory_space<semaphore_mem>>
        tpu.enqueue_dma source(%arg4 : memref<128xf32, #tpu.memory_space<hbm>>) target(%arg9 : memref<128xf32, #tpu.memory_space<vmem>>) target_semaphore(%run_scoped3A : memref<!tpu.dma_semaphore, #tpu.memory_space<semaphore_mem>>)
        tpu.wait_dma2 semaphore(%run_scoped3A : memref<!tpu.dma_semaphore, #tpu.memory_space<semaphore_mem>>) src(%arg4 : memref<128xf32, #tpu.memory_space<hbm>>) dst(%arg9 : memref<128xf32, #tpu.memory_space<vmem>>)
        tpu.yield
      }) : () -> ()
      "tpu.region"() ({
        %run_scoped3A = tpu.sem_alloc : memref<!tpu.dma_semaphore, #tpu.memory_space<semaphore_mem>>
        tpu.enqueue_dma source(%arg5 : memref<16xf32, #tpu.memory_space<hbm>>) target(%arg10 : memref<16xf32, #tpu.memory_space<vmem>>) target_semaphore(%run_scoped3A : memref<!tpu.dma_semaphore, #tpu.memory_space<semaphore_mem>>)
        tpu.wait_dma2 semaphore(%run_scoped3A : memref<!tpu.dma_semaphore, #tpu.memory_space<semaphore_mem>>) src(%arg5 : memref<16xf32, #tpu.memory_space<hbm>>) dst(%arg10 : memref<16xf32, #tpu.memory_space<vmem>>)
        tpu.yield
      }) : () -> ()
      %get3A = arith.constant 0 : index
      %get3A_22 = tpu.vector_load %arg10[%get3A] {strides = array<i32>} : memref<16xf32, #tpu.memory_space<vmem>>, vector<16xf32>,
      %eq3A_23 = arith.constant 0.000000e+00 : f32
      %eq3A_24 = vector.broadcast %eq3A_23 : f32 to vector<16xf32>
      %eq3A_25 = arith.cmpf oeq, %get3A_22, %eq3A_24 : vector<16xf32>
      %dma_wait3A = arith.constant 0 : i32
      %dma_wait3A_26 = tpu.memref_slice %arg7[%dma_wait3A] : memref<35072xf32, #tpu.memory_space<vmem>> -> memref<27968xf32, #tpu.memory_space<vmem>>
      %dma_wait3A_27 = arith.constant 972032 : i32
      %dma_wait3A_28 = tpu.memref_slice %arg2[%dma_wait3A_27] : memref<1000000xf32, #tpu.memory_space<hbm>> -> memref<27968xf32, #tpu.memory_space<hbm>>
      %dma_wait3A_29 = arith.constant 0 : i32
      %dma_wait3A_30 = tpu.memref_slice %arg7[%dma_wait3A_29] : memref<35072xf32, #tpu.memory_space<vmem>> -> memref<27968xf32, #tpu.memory_space<vmem>>
      %dma_wait3A_31 = arith.constant 972032 : i32
      %dma_wait3A_32 = tpu.memref_slice %arg2[%dma_wait3A_31] : memref<1000000xf32, #tpu.memory_space<hbm>> -> memref<27968xf32, #tpu.memory_space<hbm>>
      tpu.wait_dma2 semaphore(%arg11 : memref<!tpu.dma_semaphore, #tpu.memory_space<semaphore_mem>>) src(%dma_wait3A_32 : memref<27968xf32, #tpu.memory_space<hbm>>) dst(%dma_wait3A_30 : memref<27968xf32, #tpu.memory_space<vmem>>)
      %get3A_33 = arith.constant 0 : index
      %get3A_34 = tpu.vector_load %arg8[%get3A_33] {strides = array<i32>} : memref<128xi32, #tpu.memory_space<vmem>>, vector<16xi32>,
      %get3A_35 = arith.constant 0 : index
      %get3A_36 = tpu.vector_load %arg9[%get3A_35] {strides = array<i32>} : memref<128xf32, #tpu.memory_space<vmem>>, vector<16xf32>,
      %broadcast_in_dim3A = arith.constant 0.000000e+00 : f32
      %broadcast_in_dim3A_37 = vector.broadcast %broadcast_in_dim3A : f32 to vector<16xf32>
      %select_n3A = arith.select %eq3A_25, %get3A_36, %broadcast_in_dim3A_37 : vector<16xi1>, vector<16xf32>
      %sub3A = arith.constant 972032 : i32
      %sub3A_38 = vector.broadcast %sub3A : i32 to vector<16xi32>
      %sub3A_39 = arith.subi %get3A_34, %sub3A_38 : vector<16xi32>
      %ge3A = arith.constant 0 : i32
      %ge3A_40 = vector.broadcast %ge3A : i32 to vector<16xi32>
      %ge3A_41 = arith.cmpi sge, %sub3A_39, %ge3A_40 : vector<16xi32>
      %lt3A_42 = arith.constant 27968 : i32
      %lt3A_43 = vector.broadcast %lt3A_42 : i32 to vector<16xi32>
      %lt3A_44 = arith.cmpi slt, %sub3A_39, %lt3A_43 : vector<16xi32>
      %and3A_45 = arith.andi %ge3A_41, %lt3A_44 : vector<16xi1>
      %max3A = arith.constant 0 : i32
      %max3A_46 = vector.broadcast %max3A : i32 to vector<16xi32>
      %max3A_47 = arith.maxsi %sub3A_39, %max3A_46 : vector<16xi32>
      %min3A = arith.constant 27967 : i32
      %min3A_48 = vector.broadcast %min3A : i32 to vector<16xi32>
      %min3A_49 = arith.minsi %max3A_47, %min3A_48 : vector<16xi32>
      %scatter3A = arith.constant 0 : i32
      %scatter3A_50 = tpu.memref_slice %arg7[%scatter3A] : memref<35072xf32, #tpu.memory_space<vmem>> -> memref<27968xf32, #tpu.memory_space<vmem>>
      tpu.vector_store_idx %scatter3A_50[%min3A_49], %select_n3A masked %and3A_45 {add = true} : memref<27968xf32, #tpu.memory_space<vmem>>[vector<16xi32>], vector<16xf32>, vector<16xi1>
      %get3A_51 = arith.constant 16 : index
      %get3A_52 = tpu.vector_load %arg8[%get3A_51] {strides = array<i32>} : memref<128xi32, #tpu.memory_space<vmem>>, vector<16xi32>,
      %get3A_53 = arith.constant 16 : index
      %get3A_54 = tpu.vector_load %arg9[%get3A_53] {strides = array<i32>} : memref<128xf32, #tpu.memory_space<vmem>>, vector<16xf32>,
      %broadcast_in_dim3A_55 = arith.constant 0.000000e+00 : f32
      %broadcast_in_dim3A_56 = vector.broadcast %broadcast_in_dim3A_55 : f32 to vector<16xf32>
      %select_n3A_57 = arith.select %eq3A_25, %get3A_54, %broadcast_in_dim3A_56 : vector<16xi1>, vector<16xf32>
      %sub3A_58 = arith.constant 972032 : i32
      %sub3A_59 = vector.broadcast %sub3A_58 : i32 to vector<16xi32>
      %sub3A_60 = arith.subi %get3A_52, %sub3A_59 : vector<16xi32>
      %ge3A_61 = arith.constant 0 : i32
      %ge3A_62 = vector.broadcast %ge3A_61 : i32 to vector<16xi32>
      %ge3A_63 = arith.cmpi sge, %sub3A_60, %ge3A_62 : vector<16xi32>
      %lt3A_64 = arith.constant 27968 : i32
      %lt3A_65 = vector.broadcast %lt3A_64 : i32 to vector<16xi32>
      %lt3A_66 = arith.cmpi slt, %sub3A_60, %lt3A_65 : vector<16xi32>
      %and3A_67 = arith.andi %ge3A_63, %lt3A_66 : vector<16xi1>
      %max3A_68 = arith.constant 0 : i32
      %max3A_69 = vector.broadcast %max3A_68 : i32 to vector<16xi32>
      %max3A_70 = arith.maxsi %sub3A_60, %max3A_69 : vector<16xi32>
      %min3A_71 = arith.constant 27967 : i32
      %min3A_72 = vector.broadcast %min3A_71 : i32 to vector<16xi32>
      %min3A_73 = arith.minsi %max3A_70, %min3A_72 : vector<16xi32>
      %scatter3A_74 = arith.constant 0 : i32
      %scatter3A_75 = tpu.memref_slice %arg7[%scatter3A_74] : memref<35072xf32, #tpu.memory_space<vmem>> -> memref<27968xf32, #tpu.memory_space<vmem>>
      tpu.vector_store_idx %scatter3A_75[%min3A_73], %select_n3A_57 masked %and3A_67 {add = true} : memref<27968xf32, #tpu.memory_space<vmem>>[vector<16xi32>], vector<16xf32>, vector<16xi1>
      %get3A_76 = arith.constant 32 : index
      %get3A_77 = tpu.vector_load %arg8[%get3A_76] {strides = array<i32>} : memref<128xi32, #tpu.memory_space<vmem>>, vector<16xi32>,
      %get3A_78 = arith.constant 32 : index
      %get3A_79 = tpu.vector_load %arg9[%get3A_78] {strides = array<i32>} : memref<128xf32, #tpu.memory_space<vmem>>, vector<16xf32>,
      %broadcast_in_dim3A_80 = arith.constant 0.000000e+00 : f32
      %broadcast_in_dim3A_81 = vector.broadcast %broadcast_in_dim3A_80 : f32 to vector<16xf32>
      %select_n3A_82 = arith.select %eq3A_25, %get3A_79, %broadcast_in_dim3A_81 : vector<16xi1>, vector<16xf32>
      %sub3A_83 = arith.constant 972032 : i32
      %sub3A_84 = vector.broadcast %sub3A_83 : i32 to vector<16xi32>
      %sub3A_85 = arith.subi %get3A_77, %sub3A_84 : vector<16xi32>
      %ge3A_86 = arith.constant 0 : i32
      %ge3A_87 = vector.broadcast %ge3A_86 : i32 to vector<16xi32>
      %ge3A_88 = arith.cmpi sge, %sub3A_85, %ge3A_87 : vector<16xi32>
      %lt3A_89 = arith.constant 27968 : i32
      %lt3A_90 = vector.broadcast %lt3A_89 : i32 to vector<16xi32>
      %lt3A_91 = arith.cmpi slt, %sub3A_85, %lt3A_90 : vector<16xi32>
      %and3A_92 = arith.andi %ge3A_88, %lt3A_91 : vector<16xi1>
      %max3A_93 = arith.constant 0 : i32
      %max3A_94 = vector.broadcast %max3A_93 : i32 to vector<16xi32>
      %max3A_95 = arith.maxsi %sub3A_85, %max3A_94 : vector<16xi32>
      %min3A_96 = arith.constant 27967 : i32
      %min3A_97 = vector.broadcast %min3A_96 : i32 to vector<16xi32>
      %min3A_98 = arith.minsi %max3A_95, %min3A_97 : vector<16xi32>
      %scatter3A_99 = arith.constant 0 : i32
      %scatter3A_100 = tpu.memref_slice %arg7[%scatter3A_99] : memref<35072xf32, #tpu.memory_space<vmem>> -> memref<27968xf32, #tpu.memory_space<vmem>>
      tpu.vector_store_idx %scatter3A_100[%min3A_98], %select_n3A_82 masked %and3A_92 {add = true} : memref<27968xf32, #tpu.memory_space<vmem>>[vector<16xi32>], vector<16xf32>, vector<16xi1>
      %get3A_101 = arith.constant 48 : index
      %get3A_102 = tpu.vector_load %arg8[%get3A_101] {strides = array<i32>} : memref<128xi32, #tpu.memory_space<vmem>>, vector<16xi32>,
      %get3A_103 = arith.constant 48 : index
      %get3A_104 = tpu.vector_load %arg9[%get3A_103] {strides = array<i32>} : memref<128xf32, #tpu.memory_space<vmem>>, vector<16xf32>,
      %broadcast_in_dim3A_105 = arith.constant 0.000000e+00 : f32
      %broadcast_in_dim3A_106 = vector.broadcast %broadcast_in_dim3A_105 : f32 to vector<16xf32>
      %select_n3A_107 = arith.select %eq3A_25, %get3A_104, %broadcast_in_dim3A_106 : vector<16xi1>, vector<16xf32>
      %sub3A_108 = arith.constant 972032 : i32
      %sub3A_109 = vector.broadcast %sub3A_108 : i32 to vector<16xi32>
      %sub3A_110 = arith.subi %get3A_102, %sub3A_109 : vector<16xi32>
      %ge3A_111 = arith.constant 0 : i32
      %ge3A_112 = vector.broadcast %ge3A_111 : i32 to vector<16xi32>
      %ge3A_113 = arith.cmpi sge, %sub3A_110, %ge3A_112 : vector<16xi32>
      %lt3A_114 = arith.constant 27968 : i32
      %lt3A_115 = vector.broadcast %lt3A_114 : i32 to vector<16xi32>
      %lt3A_116 = arith.cmpi slt, %sub3A_110, %lt3A_115 : vector<16xi32>
      %and3A_117 = arith.andi %ge3A_113, %lt3A_116 : vector<16xi1>
      %max3A_118 = arith.constant 0 : i32
      %max3A_119 = vector.broadcast %max3A_118 : i32 to vector<16xi32>
      %max3A_120 = arith.maxsi %sub3A_110, %max3A_119 : vector<16xi32>
      %min3A_121 = arith.constant 27967 : i32
      %min3A_122 = vector.broadcast %min3A_121 : i32 to vector<16xi32>
      %min3A_123 = arith.minsi %max3A_120, %min3A_122 : vector<16xi32>
      %scatter3A_124 = arith.constant 0 : i32
      %scatter3A_125 = tpu.memref_slice %arg7[%scatter3A_124] : memref<35072xf32, #tpu.memory_space<vmem>> -> memref<27968xf32, #tpu.memory_space<vmem>>
      tpu.vector_store_idx %scatter3A_125[%min3A_123], %select_n3A_107 masked %and3A_117 {add = true} : memref<27968xf32, #tpu.memory_space<vmem>>[vector<16xi32>], vector<16xf32>, vector<16xi1>
      %get3A_126 = arith.constant 64 : index
      %get3A_127 = tpu.vector_load %arg8[%get3A_126] {strides = array<i32>} : memref<128xi32, #tpu.memory_space<vmem>>, vector<16xi32>,
      %get3A_128 = arith.constant 64 : index
      %get3A_129 = tpu.vector_load %arg9[%get3A_128] {strides = array<i32>} : memref<128xf32, #tpu.memory_space<vmem>>, vector<16xf32>,
      %broadcast_in_dim3A_130 = arith.constant 0.000000e+00 : f32
      %broadcast_in_dim3A_131 = vector.broadcast %broadcast_in_dim3A_130 : f32 to vector<16xf32>
      %select_n3A_132 = arith.select %eq3A_25, %get3A_129, %broadcast_in_dim3A_131 : vector<16xi1>, vector<16xf32>
      %sub3A_133 = arith.constant 972032 : i32
      %sub3A_134 = vector.broadcast %sub3A_133 : i32 to vector<16xi32>
      %sub3A_135 = arith.subi %get3A_127, %sub3A_134 : vector<16xi32>
      %ge3A_136 = arith.constant 0 : i32
      %ge3A_137 = vector.broadcast %ge3A_136 : i32 to vector<16xi32>
      %ge3A_138 = arith.cmpi sge, %sub3A_135, %ge3A_137 : vector<16xi32>
      %lt3A_139 = arith.constant 27968 : i32
      %lt3A_140 = vector.broadcast %lt3A_139 : i32 to vector<16xi32>
      %lt3A_141 = arith.cmpi slt, %sub3A_135, %lt3A_140 : vector<16xi32>
      %and3A_142 = arith.andi %ge3A_138, %lt3A_141 : vector<16xi1>
      %max3A_143 = arith.constant 0 : i32
      %max3A_144 = vector.broadcast %max3A_143 : i32 to vector<16xi32>
      %max3A_145 = arith.maxsi %sub3A_135, %max3A_144 : vector<16xi32>
      %min3A_146 = arith.constant 27967 : i32
      %min3A_147 = vector.broadcast %min3A_146 : i32 to vector<16xi32>
      %min3A_148 = arith.minsi %max3A_145, %min3A_147 : vector<16xi32>
      %scatter3A_149 = arith.constant 0 : i32
      %scatter3A_150 = tpu.memref_slice %arg7[%scatter3A_149] : memref<35072xf32, #tpu.memory_space<vmem>> -> memref<27968xf32, #tpu.memory_space<vmem>>
      tpu.vector_store_idx %scatter3A_150[%min3A_148], %select_n3A_132 masked %and3A_142 {add = true} : memref<27968xf32, #tpu.memory_space<vmem>>[vector<16xi32>], vector<16xf32>, vector<16xi1>
      %get3A_151 = arith.constant 80 : index
      %get3A_152 = tpu.vector_load %arg8[%get3A_151] {strides = array<i32>} : memref<128xi32, #tpu.memory_space<vmem>>, vector<16xi32>,
      %get3A_153 = arith.constant 80 : index
      %get3A_154 = tpu.vector_load %arg9[%get3A_153] {strides = array<i32>} : memref<128xf32, #tpu.memory_space<vmem>>, vector<16xf32>,
      %broadcast_in_dim3A_155 = arith.constant 0.000000e+00 : f32
      %broadcast_in_dim3A_156 = vector.broadcast %broadcast_in_dim3A_155 : f32 to vector<16xf32>
      %select_n3A_157 = arith.select %eq3A_25, %get3A_154, %broadcast_in_dim3A_156 : vector<16xi1>, vector<16xf32>
      %sub3A_158 = arith.constant 972032 : i32
      %sub3A_159 = vector.broadcast %sub3A_158 : i32 to vector<16xi32>
      %sub3A_160 = arith.subi %get3A_152, %sub3A_159 : vector<16xi32>
      %ge3A_161 = arith.constant 0 : i32
      %ge3A_162 = vector.broadcast %ge3A_161 : i32 to vector<16xi32>
      %ge3A_163 = arith.cmpi sge, %sub3A_160, %ge3A_162 : vector<16xi32>
      %lt3A_164 = arith.constant 27968 : i32
      %lt3A_165 = vector.broadcast %lt3A_164 : i32 to vector<16xi32>
      %lt3A_166 = arith.cmpi slt, %sub3A_160, %lt3A_165 : vector<16xi32>
      %and3A_167 = arith.andi %ge3A_163, %lt3A_166 : vector<16xi1>
      %max3A_168 = arith.constant 0 : i32
      %max3A_169 = vector.broadcast %max3A_168 : i32 to vector<16xi32>
      %max3A_170 = arith.maxsi %sub3A_160, %max3A_169 : vector<16xi32>
      %min3A_171 = arith.constant 27967 : i32
      %min3A_172 = vector.broadcast %min3A_171 : i32 to vector<16xi32>
      %min3A_173 = arith.minsi %max3A_170, %min3A_172 : vector<16xi32>
      %scatter3A_174 = arith.constant 0 : i32
      %scatter3A_175 = tpu.memref_slice %arg7[%scatter3A_174] : memref<35072xf32, #tpu.memory_space<vmem>> -> memref<27968xf32, #tpu.memory_space<vmem>>
      tpu.vector_store_idx %scatter3A_175[%min3A_173], %select_n3A_157 masked %and3A_167 {add = true} : memref<27968xf32, #tpu.memory_space<vmem>>[vector<16xi32>], vector<16xf32>, vector<16xi1>
      %get3A_176 = arith.constant 96 : index
      %get3A_177 = tpu.vector_load %arg8[%get3A_176] {strides = array<i32>} : memref<128xi32, #tpu.memory_space<vmem>>, vector<16xi32>,
      %get3A_178 = arith.constant 96 : index
      %get3A_179 = tpu.vector_load %arg9[%get3A_178] {strides = array<i32>} : memref<128xf32, #tpu.memory_space<vmem>>, vector<16xf32>,
      %broadcast_in_dim3A_180 = arith.constant 0.000000e+00 : f32
      %broadcast_in_dim3A_181 = vector.broadcast %broadcast_in_dim3A_180 : f32 to vector<16xf32>
      %select_n3A_182 = arith.select %eq3A_25, %get3A_179, %broadcast_in_dim3A_181 : vector<16xi1>, vector<16xf32>
      %sub3A_183 = arith.constant 972032 : i32
      %sub3A_184 = vector.broadcast %sub3A_183 : i32 to vector<16xi32>
      %sub3A_185 = arith.subi %get3A_177, %sub3A_184 : vector<16xi32>
      %ge3A_186 = arith.constant 0 : i32
      %ge3A_187 = vector.broadcast %ge3A_186 : i32 to vector<16xi32>
      %ge3A_188 = arith.cmpi sge, %sub3A_185, %ge3A_187 : vector<16xi32>
      %lt3A_189 = arith.constant 27968 : i32
      %lt3A_190 = vector.broadcast %lt3A_189 : i32 to vector<16xi32>
      %lt3A_191 = arith.cmpi slt, %sub3A_185, %lt3A_190 : vector<16xi32>
      %and3A_192 = arith.andi %ge3A_188, %lt3A_191 : vector<16xi1>
      %max3A_193 = arith.constant 0 : i32
      %max3A_194 = vector.broadcast %max3A_193 : i32 to vector<16xi32>
      %max3A_195 = arith.maxsi %sub3A_185, %max3A_194 : vector<16xi32>
      %min3A_196 = arith.constant 27967 : i32
      %min3A_197 = vector.broadcast %min3A_196 : i32 to vector<16xi32>
      %min3A_198 = arith.minsi %max3A_195, %min3A_197 : vector<16xi32>
      %scatter3A_199 = arith.constant 0 : i32
      %scatter3A_200 = tpu.memref_slice %arg7[%scatter3A_199] : memref<35072xf32, #tpu.memory_space<vmem>> -> memref<27968xf32, #tpu.memory_space<vmem>>
      tpu.vector_store_idx %scatter3A_200[%min3A_198], %select_n3A_182 masked %and3A_192 {add = true} : memref<27968xf32, #tpu.memory_space<vmem>>[vector<16xi32>], vector<16xf32>, vector<16xi1>
      %get3A_201 = arith.constant 112 : index
      %get3A_202 = tpu.vector_load %arg8[%get3A_201] {strides = array<i32>} : memref<128xi32, #tpu.memory_space<vmem>>, vector<16xi32>,
      %get3A_203 = arith.constant 112 : index
      %get3A_204 = tpu.vector_load %arg9[%get3A_203] {strides = array<i32>} : memref<128xf32, #tpu.memory_space<vmem>>, vector<16xf32>,
      %broadcast_in_dim3A_205 = arith.constant 0.000000e+00 : f32
      %broadcast_in_dim3A_206 = vector.broadcast %broadcast_in_dim3A_205 : f32 to vector<16xf32>
      %select_n3A_207 = arith.select %eq3A_25, %get3A_204, %broadcast_in_dim3A_206 : vector<16xi1>, vector<16xf32>
      %sub3A_208 = arith.constant 972032 : i32
      %sub3A_209 = vector.broadcast %sub3A_208 : i32 to vector<16xi32>
      %sub3A_210 = arith.subi %get3A_202, %sub3A_209 : vector<16xi32>
      %ge3A_211 = arith.constant 0 : i32
      %ge3A_212 = vector.broadcast %ge3A_211 : i32 to vector<16xi32>
      %ge3A_213 = arith.cmpi sge, %sub3A_210, %ge3A_212 : vector<16xi32>
      %lt3A_214 = arith.constant 27968 : i32
      %lt3A_215 = vector.broadcast %lt3A_214 : i32 to vector<16xi32>
      %lt3A_216 = arith.cmpi slt, %sub3A_210, %lt3A_215 : vector<16xi32>
      %and3A_217 = arith.andi %ge3A_213, %lt3A_216 : vector<16xi1>
      %max3A_218 = arith.constant 0 : i32
      %max3A_219 = vector.broadcast %max3A_218 : i32 to vector<16xi32>
      %max3A_220 = arith.maxsi %sub3A_210, %max3A_219 : vector<16xi32>
      %min3A_221 = arith.constant 27967 : i32
      %min3A_222 = vector.broadcast %min3A_221 : i32 to vector<16xi32>
      %min3A_223 = arith.minsi %max3A_220, %min3A_222 : vector<16xi32>
      %scatter3A_224 = arith.constant 0 : i32
      %scatter3A_225 = tpu.memref_slice %arg7[%scatter3A_224] : memref<35072xf32, #tpu.memory_space<vmem>> -> memref<27968xf32, #tpu.memory_space<vmem>>
      tpu.vector_store_idx %scatter3A_225[%min3A_223], %select_n3A_207 masked %and3A_217 {add = true} : memref<27968xf32, #tpu.memory_space<vmem>>[vector<16xi32>], vector<16xf32>, vector<16xi1>
      %dma_start3A_226 = arith.constant 0 : i32
      %dma_start3A_227 = tpu.memref_slice %arg7[%dma_start3A_226] : memref<35072xf32, #tpu.memory_space<vmem>> -> memref<27968xf32, #tpu.memory_space<vmem>>
      %dma_start3A_228 = arith.constant 972032 : i32
      %dma_start3A_229 = tpu.memref_slice %arg6[%dma_start3A_228] : memref<1000000xf32, #tpu.memory_space<hbm>> -> memref<27968xf32, #tpu.memory_space<hbm>>
      %dma_start3A_230 = arith.constant 972032 : i32
      %dma_start3A_231 = tpu.memref_slice %arg6[%dma_start3A_230] : memref<1000000xf32, #tpu.memory_space<hbm>> -> memref<27968xf32, #tpu.memory_space<hbm>>
      %dma_start3A_232 = arith.constant 0 : i32
      %dma_start3A_233 = tpu.memref_slice %arg7[%dma_start3A_232] : memref<35072xf32, #tpu.memory_space<vmem>> -> memref<27968xf32, #tpu.memory_space<vmem>>
      tpu.enqueue_dma source(%dma_start3A_233 : memref<27968xf32, #tpu.memory_space<vmem>>) target(%dma_start3A_231 : memref<27968xf32, #tpu.memory_space<hbm>>) target_semaphore(%arg11 : memref<!tpu.dma_semaphore, #tpu.memory_space<semaphore_mem>>)
      %dma_wait3A_234 = arith.constant 0 : i32
      %dma_wait3A_235 = tpu.memref_slice %arg7[%dma_wait3A_234] : memref<35072xf32, #tpu.memory_space<vmem>> -> memref<27968xf32, #tpu.memory_space<vmem>>
      %dma_wait3A_236 = arith.constant 972032 : i32
      %dma_wait3A_237 = tpu.memref_slice %arg6[%dma_wait3A_236] : memref<1000000xf32, #tpu.memory_space<hbm>> -> memref<27968xf32, #tpu.memory_space<hbm>>
      %dma_wait3A_238 = arith.constant 972032 : i32
      %dma_wait3A_239 = tpu.memref_slice %arg6[%dma_wait3A_238] : memref<1000000xf32, #tpu.memory_space<hbm>> -> memref<27968xf32, #tpu.memory_space<hbm>>
      %dma_wait3A_240 = arith.constant 0 : i32
      %dma_wait3A_241 = tpu.memref_slice %arg7[%dma_wait3A_240] : memref<35072xf32, #tpu.memory_space<vmem>> -> memref<27968xf32, #tpu.memory_space<vmem>>
      tpu.wait_dma2 semaphore(%arg11 : memref<!tpu.dma_semaphore, #tpu.memory_space<semaphore_mem>>) src(%dma_wait3A_241 : memref<27968xf32, #tpu.memory_space<vmem>>) dst(%dma_wait3A_239 : memref<27968xf32, #tpu.memory_space<hbm>>)
    } else {
    }
    return
  }
}

</mosaic_0001>

<sc_bundles>
// kernel: kernel.3.cloned.1.call-start
scs
__scs_entry_jumppad:
0x0: {  	(pc) =	sbr.rel $0x88, $3  }
0x1: {  	(tag) =	ssettag $0x0;
	lr =	simm.s32 $0x1  }
0x2: {  	[smem:$0x3F9D] =	sst lr;
	_ =	strace $0xD0000000  }
0x3: {  	_ = 	snop  }
0x4: {  	_ = 	snop  }
0x5: {  	_ = 	snop  }
0x6: {  	_ = 	snop  }
0x7: {  	_ = 	snop  }
__scs_overlays_trampoline_lowered:
0x8: {  	[smem:$0x3FAC] =	sst s0  }
0x9: {  	[smem:$0x3FAD] =	sst s1  }
0xa: {  	[smem:$0x3FAE] =	sst s2  }
0xb: {  	[smem:$0x3FAF] =	sst s3  }
0xc: {  	[smem:$0x3FB0] =	sst s4  }
0xd: {  	[smem:$0x3FB1] =	sst s5  }
0xe: {  	[smem:$0x3FB2] =	sst s6  }
0xf: {  	[smem:$0x3FB3] =	sst s7  }
0x10: {  	[smem:$0x3FB4] =	sst s8  }
0x11: {  	[smem:$0x3FB5] =	sst s9;
	s0 =	simm.s32 @!p0 $0x0  }
0x12: {  	s1 =	sld [smem:$0x3F9B];
	s0 =	simm.s32 @p0 $0x1  }
0x13: {  	[smem:$0x3FB6] =	sst s0;
	s0 =	simm.s32 @!p1 $0x0  }
0x14: {  	s2 =	sld [smem:$0x3F9A];
	s0 =	simm.s32 @p1 $0x1  }
0x15: {  	[smem:$0x3FB7] =	sst s0;
	s0 =	simm.s32 @!p2 $0x0  }
0x16: {  	s3 =	sld [smem:$0x3FDB];
	s0 =	simm.s32 @p2 $0x1  }
0x17: {  	s4 =	simm.s32 $0x1BF5;
	[smem:$0x3FB9] =	sst s0  }
0x18: {  	s0 =	sld [smem:$0x3F9C];
	_ =	swait.ge [sflag:s4], $0x0  }
0x19: {  	s7 =	sld [smem:$0x3F9D]  }
0x1a: {  	s8 =	sadd.s32 $0xFFFFE003, lr  }
0x1b: {  	s9 =	sadd.s32 $0xFFFFFEF7, lr;
	s5 =	simm.s32 $0xFFFFFFFF;
	p2 =	slt.u32 s8, $0xFFFFF086  }
0x1c: {  	p1 =	slt.u32 s9, $0xF7A;
	s5 =	simm.s32 @!p2 $0x0  }
0x1d: {  	s5 =	simm.s32 @p1 $0x1;
	p0 =	seq.s32 s7, s2  }
0x1e: {  	s7 =	smul.u32 @!p0 $0xF7A, s2;
	p2 =	seq.s32 @!p0 s5, $0x0  }
0x1f: {  	s9 =	smul.u32 $0xF7A, s1;
	s8 =	simm.s32 @!p0 $0x1BF5;
	p2 =	por !p2, p0  }
0x20: {  	[sflag:s8] =	ssyncset.s32 @!p0 $0xFFFFF086;
	s6 =	sadd.s32 @!p0 s3, s7;
	s7 =	simm.s32 @!p0 $0x108  }
0x21: {  	s3 =	sadd.s32 s3, s9;
	s6 =	sadd.s32 @!p0 $0x88, s6;
	s7 =	simm.s32 @p2 $0x1082  }
0x22: {  	[simem:s7], [sflag:s8] =	dma.local @!p0 [hbm:s6], $0xF7A  }
0x23: {  	s9 =	sor.u32 $0xD0000000, s2;
	s6 =	simm.s32 $0x108;
	_ =	swait.ge @!p0 [sflag:s8], $0x0  }
0x24: {  	s3 =	sadd.s32 $0x88, s3;
	s6 =	simm.s32 @!p1 $0x1082;
	[sflag:s4] =	ssyncset.s32 $0xFFFFF086  }
0x25: {  	[simem:s6], [sflag:s4] =	dma.local [hbm:s3], $0xF7A  }
0x26: {  	[smem:$0x3F9D] =	sst s1;
	(tag) =	ssettag s2;
	_ =	strace s9  }
0x27: {  	s1 =	sld [smem:$0x3FAD]  }
0x28: {  	s2 =	sld [smem:$0x3FAE]  }
0x29: {  	s4 =	sld [smem:$0x3FB0]  }
0x2a: {  	p0 =	seq.s32 s5, $0x0;
	s5 =	sld [smem:$0x3FB1]  }
0x2b: {  	s6 =	sld [smem:$0x3FB2]  }
0x2c: {  	s7 =	sld [smem:$0x3FB3]  }
0x2d: {  	s3 =	simm.s32 $0x108;
	s8 =	sld [smem:$0x3FB4]  }
0x2e: {  	s3 =	simm.s32 @!p0 $0x1082;
	s9 =	sld [smem:$0x3FB5]  }
0x2f: {  	lr =	sadd.s32 s0, s3;
	s0 =	sld [smem:$0x3FAC]  }
0x30: {  	s3 =	sld [smem:$0x3FAF]  }
0x31: {  	[smem:$0x3FB8] =	sst s10  }
0x32: {  	s10 =	sld [smem:$0x3FB6];
	_ =	sdelay $0x3  }
0x33: {  	p0 =	seq.s32 s10, $0x1;
	s10 =	sld [smem:$0x3FB8];
	_ =	sdelay $0x3  }
0x34: {  	[smem:$0x3FB8] =	sst s10  }
0x35: {  	s10 =	sld [smem:$0x3FB7];
	_ =	sdelay $0x3  }
0x36: {  	p1 =	seq.s32 s10, $0x1;
	s10 =	sld [smem:$0x3FB8];
	_ =	sdelay $0x3  }
0x37: {  	[smem:$0x3FB8] =	sst s10  }
0x38: {  	s10 =	sld [smem:$0x3FB9]  }
0x39: {  	_ = 	snop;
	(pc) =	sbr.ind lr, $3  }
0x3a: {  	_ = 	snop  }
0x3b: {  	_ = 	snop  }
0x3c: {  	p2 =	seq.s32 s10, $0x1;
	s10 =	sld [smem:$0x3FB8]  }
0x3d: {  	_ =	shalt  }
0x3e: {  	_ =	shalt  }
0x3f: {  	_ =	shalt  }
0x40: {  	_ =	shalt  }
0x41: {  	_ =	shalt  }
0x42: {  	_ =	shalt  }
0x43: {  	_ =	shalt  }
0x44: {  	_ =	shalt  }
0x45: {  	_ =	shalt  }
0x46: {  	_ =	shalt  }
0x47: {  	_ =	shalt  }
0x48: {  	_ =	shalt  }
0x49: {  	_ =	shalt  }
0x4a: {  	_ =	shalt  }
0x4b: {  	_ =	shalt  }
0x4c: {  	_ =	shalt  }
0x4d: {  	_ =	shalt  }
0x4e: {  	_ =	shalt  }
0x4f: {  	_ =	shalt  }
0x50: {  	_ =	shalt  }
0x51: {  	_ =	shalt  }
0x52: {  	_ =	shalt  }
0x53: {  	_ =	shalt  }
0x54: {  	_ =	shalt  }
0x55: {  	_ =	shalt  }
0x56: {  	_ =	shalt  }
0x57: {  	_ =	shalt  }
0x58: {  	_ =	shalt  }
0x59: {  	_ =	shalt  }
0x5a: {  	_ =	shalt  }
0x5b: {  	_ =	shalt  }
0x5c: {  	_ =	shalt  }
0x5d: {  	_ =	shalt  }
0x5e: {  	_ =	shalt  }
0x5f: {  	_ =	shalt  }
0x60: {  	_ =	shalt  }
0x61: {  	_ =	shalt  }
0x62: {  	_ =	shalt  }
0x63: {  	_ =	shalt  }
0x64: {  	_ =	shalt  }
0x65: {  	_ =	shalt  }
0x66: {  	_ =	shalt  }
0x67: {  	_ =	shalt  }
0x68: {  	_ =	shalt  }
0x69: {  	_ =	shalt  }
0x6a: {  	_ =	shalt  }
0x6b: {  	_ =	shalt  }
0x6c: {  	_ =	shalt  }
0x6d: {  	_ =	shalt  }
0x6e: {  	_ =	shalt  }
0x6f: {  	_ =	shalt  }
0x70: {  	_ =	shalt  }
0x71: {  	_ =	shalt  }
0x72: {  	_ =	shalt  }
0x73: {  	_ =	shalt  }
0x74: {  	_ =	shalt  }
0x75: {  	_ =	shalt  }
0x76: {  	_ =	shalt  }
0x77: {  	_ =	shalt  }
0x78: {  	_ =	shalt  }
0x79: {  	_ =	shalt  }
0x7a: {  	_ =	shalt  }
0x7b: {  	_ =	shalt  }
0x7c: {  	_ =	shalt  }
0x7d: {  	_ =	shalt  }
0x7e: {  	_ =	shalt  }
0x7f: {  	_ =	shalt  }
0x80: {  	_ =	shalt  }
0x81: {  	_ =	shalt  }
0x82: {  	_ =	shalt  }
0x83: {  	_ =	shalt  }
0x84: {  	_ =	shalt  }
0x85: {  	_ =	shalt  }
0x86: {  	_ =	shalt  }
0x87: {  	_ =	shalt  }
.Lfunc_end0:
.L_simem_size_0:
called_computation_lowered:
.L_overlay_start_0:
0x88: {  	s2 =	sld [smem:$0x3FD9]  }
0x89: {  	s3 =	sld [smem:$0x3FFE];
	_ =	sdelay $0x1  }
0x8a: {  	s1 =	srdreg.scid  }
0x8b: {  	s0 =	sand.u32 $0x1, s1  }
0x8c: {  	s17 =	sshll.u32 s0, $0xA;
	s2 =	sadd.s32 s3, s2  }
0x8d: {  	s2 =	sadd.s32 s2, s17  }
0x8e: {  	[smem:$0x3FC4] =	sst s2  }
0x8f: {  	_ = 	snop  }
0x90: {  	s2 =	sld [smem:$0x3FC8]  }
0x91: {  	s18 =	sld [smem:$0x3FC7]  }
0x92: {  	s4 =	sld [smem:$0x3FC6]  }
0x93: {  	s5 =	sld [smem:$0x3FD0];
	(tm) =	ssettm $0x1  }
0x94: {  	s6 =	sld [smem:$0x3FFB];
	_ =	sdelay $0x3  }
0x95: {  	_ =	strace s6  }
0x96: {  	s6 =	sld [smem:$0x3FFC];
	_ =	sdelay $0x3  }
0x97: {  	_ =	strace s6  }
0x98: {  	s6 =	sld [smem:$0x3FFD];
	_ =	sdelay $0x3  }
0x99: {  	_ =	strace s6  }
0x9a: {  	_ =	strace $0x8FFFFFFF  }
0x9b: {  	s19 =	sld [smem:$0x3FDB];
	_ =	sdelay $0x1  }
0x9c: {  	s7 =	simm.s32 $_scs_section_size  }
0x9d: {  	s8 =	simm.s32 $_size__tile_overlayer_lowered;
	s9 =	simm.s32 $_tile_overlayer_lowered  }
0x9e: {  	s22 =	simm.s32 $0x1BFF;
	s21 =	sshll.u32 s9, $0x1;
	s6 =	sadd.s32 s7, s19  }
0x9f: {  	s10 =	simm.s32 $0x0;
	s20 =	sshll.u32 s8, $0x1;
	s8 =	sadd.s32 s21, s6  }
0xa0: {  	[timem:s10], [sflag:s22] =	dma.local [hbm:s8], s20  }
0xa1: {  	_ =	swait.ge [sflag:s22], s20  }
0xa2: {  	s7 =	ssub.s32 $0x0, s20;
	[sflag:s22] =	ssyncset.done $0x0  }
0xa3: {  	[sflag:s22] =	ssyncadd.s32 s7;
	_ =	sdelay $0x1  }
0xa4: {  	s23 =	simm.s32 $0x1B8B  }
0xa5: {  	_ =	swait.ge [sflag:s23], $0x1  }
0xa6: {  	[sflag:s23] =	ssyncset.done $0x0  }
0xa7: {  	s25 =	simm.s32 $0x1B8E;
	s24 =	sld [smem:$0x3FFE];
	[sflag:s23] =	ssyncadd.s32 $0xFFFFFFFF  }
0xa8: {  	s26 =	simm.s32 $execute0_lowered;
	[smem:$0x3FD2] =	sst s25  }
0xa9: {  	s8 =	sshll.u32 s26, $0x1;
	_ =	strace $0x80000046;
	[dreg:$0x1] =	wrdreg $0xFFFFFFFF  }
0xaa: {  	s28 =	simm.s32 $_size_execute0_lowered;
	s6 =	sadd.s32 s6, s8;
	[dreg:$0x0] =	wrdreg $0x0  }
0xab: {  	s8 =	sshll.u32 s28, $0x1;
	[dreg:$0x2] =	wrdreg s6  }
0xac: {  	[dreg:$0x3] =	wrdreg s8  }
0xad: {  	[dreg:$0x4] =	wrdreg $0xC0  }
0xae: {  	_ =	task [dreg:s10], $0x5FFFF  }
0xaf: {  	[dreg:$0x1] =	wrdreg $0xFFFFFFFF  }
0xb0: {  	[dreg:$0x0] =	wrdreg $0x60  }
0xb1: {  	[dreg:$0x2] =	wrdreg s2  }
0xb2: {  	[dreg:$0x3] =	wrdreg s18  }
0xb3: {  	[dreg:$0x4] =	wrdreg s4  }
0xb4: {  	[dreg:$0x5] =	wrdreg s24  }
0xb5: {  	[dreg:$0x6] =	wrdreg s5  }
0xb6: {  	[dreg:$0x7] =	wrdreg $0x9  }
0xb7: {  	_ =	task.clear_ibuf [dreg:s10], $0x8FFFF;
	_ =	strace $0x90000046  }
0xb8: {  	s29 =	simm.s32 $0x9;
	_ =	strace $0x80000048  }
0xb9: {  	_ =	swait.ge [sflag:s29], $0x1  }
0xba: {  	[sflag:s29] =	ssyncadd.s32 $0xFFFFFFFF  }
0xbb: {  	_ =	strace $0x90000048  }
0xbc: {  	_ =	sfence  }
0xbd: {  	s30 =	sld [smem:$0x0];
	_ =	sdelay $0x2  }
0xbe: {  	s31 =	sshll.u32 s1, $0xD;
	s1 =	sshrl.u32 s1, $0x2  }
0xbf: {  	s3 =	sand.u32 $0x4000, s31;
	s1 =	sadd.s32 s1, s30  }
0xc0: {  	s0 =	sor.u32 s3, s0;
	s1 =	sshll.u32 s1, $0x11  }
0xc1: {  	s0 =	sor.u32 s1, s0  }
0xc2: {  	s0 =	sadd.s32 $0x8F2B, s0  }
0xc3: {  	[sflag:s0] =	ssyncadd.remote.s32 $0x1  }
0xc4: {  	_ =	sfence.sel $0xFFFF  }
0xc5: {  	[dreg:$0x0] =	wrdreg $0xFFFFFFFF;
	(pc) =	sbr.abs _section_cstart, $3  }
0xc6: {  	[dreg:$0x1] =	wrdreg $0xFFFFFFFF  }
0xc7: {  	_ =	task.clear_ibuf [dreg:s10], $0x2FFFF;
	_ =	strace $0x9FFFFFFF  }
0xc8: {  	(tm) =	ssettm $0x7FFFFFFF  }
0xc9: {  	_ =	shalt  }
tec
execute0_lowered:
.L_overlay_start_1:
0x0: {  	(tag) =	ssettag $0x1  }
0x1: {  	s10 =	rddreg [dreg:$0x0]  }
0x2: {  	s1 =	rddreg [dreg:$0x1]  }
0x3: {  	s2 =	rddreg [dreg:$0x2]  }
0x4: {  	s5 =	rddreg [dreg:$0x3]  }
0x5: {  	s11 =	rddreg [dreg:$0x4]  }
0x6: {  	s0 =	rddreg [dreg:$0x5]  }
0x7: {  	s6 =	srdreg.scid;
	s3 =	stileid.u32;
	s4 =	simm.s32 $0x0  }
0x8: {  	s14 =	simm.s32 $0x2;
	s17 =	simm.s32 $0x1;
	s15 =	smul.u32 $0x8900, s3  }
0x9: {  	s13 =	sand.u32 $0x1, s6;
	[smem:$0x7FF] =	sst s4;
	s7 =	smul.u32 $0x6B00, s3  }
0xa: {  	s5 =	sadd.s32 $0x400, s5;
	p1 =	seq.s32 s3, $0xF;
	s6 =	ssub.s32 $0x2, s13  }
0xb: {  	_ =	strace $0x80000047;
	p0 =	seq.s32 s13, $0x0;
	s13 =	simm.s32 $0x8900  }
.Ltmp0:
0xc: {  	s8 =	sshrl.u32 s6, $0x1;
	s31 =	sshrl.u32 s15, $0x3;
	(pc) =	sbr.rel .LBB2_1-.Ltmp0, $4  }
0xd: {  	s16 =	sadd.s32 $0x89000, s7;
	v0 =	vmov s15;
	s15 =	simm.s32 $0x8980;
	s12 =	ssub.s32 s6, s8  }
0xe: {  	s6 =	sadd.s32 s10, s31;
	s7 =	sadd.s32 s11, s31;
	s9 =	sshrl.u32 s16, $0x3  }
0xf: {  	v1 =	vmov s16;
	s16 =	simm.s32 $0x8A00;
	s8 =	sadd.s32 s10, s9;
	s9 =	sadd.s32 s11, s9  }
0x10: {  	s10 =	sadd.s32 $0x1DAA0, s10;
	s11 =	sadd.s32 $0x1DAA0, s11;
	s12 =	smax.u32 s12, $0x1  }
.LBB2_2:
0x11: {  	[tilespmem:s4], [sflag:$0x1] =	stream.linear.gather [hbm4b:s6+s4], $0x8900, $0x38;
	[tilespmem:$0x8A10] =	vst v63  }
0x12: {  	_ = 	snop  }
0x13: {  	[tilespmem:s13], [sflag:$0x2] =	stream.linear.gather [hbm4b:s1+s4], $0x80, $0x38;
	[tilespmem:$0x8A10] =	vst v63  }
0x14: {  	_ =	swait.ge [sflag:s14], $0x80  }
0x15: {  	[sflag:s14] =	ssyncset.done $0x0  }
0x16: {  	[sflag:s14] =	ssyncadd.s32 $0xFFFFFF80  }
0x17: {  	[tilespmem:s15], [sflag:$0x2] =	stream.linear.gather [hbm4b:s2+s4], $0x80, $0x38;
	[tilespmem:$0x8A10] =	vst v63  }
0x18: {  	_ =	swait.ge [sflag:s14], $0x80  }
0x19: {  	[sflag:s14] =	ssyncset.done $0x0  }
0x1a: {  	[sflag:s14] =	ssyncadd.s32 $0xFFFFFF80  }
0x1b: {  	[tilespmem:s16], [sflag:$0x2] =	stream.linear.gather [hbm4b:s5+s4], $0x10, $0x38;
	[tilespmem:$0x8A10] =	vst v63  }
0x1c: {  	_ =	swait.ge [sflag:s14], $0x10  }
0x1d: {  	[sflag:s14] =	ssyncset.done $0x0  }
0x1e: {  	[sflag:s14] =	ssyncadd.s32 $0xFFFFFFF0  }
0x1f: {  	v2 =	vld [tilespmem:$0x8A00];
	_ =	swait.ge [sflag:s17], $0x8900  }
0x20: {  	[sflag:s17] =	ssyncset.done $0x0  }
0x21: {  	[sflag:s17] =	ssyncadd.s32 $0xFFFF7700  }
0x22: {  	v3 =	vld [tilespmem:$0x8900];
	_ =	sdelay $0x4  }
0x23: {  	v3 =	vsub.s32 v3, v0  }
0x24: {  	vm0 =	vgt.s32 v3, $0x0  }
0x25: {  	v4 =	vld [tilespmem:$0x8980];
	vm1 =	vlt.u32 v3, $0x8900;
	v3 =	vnsel vm0, $0x0, v3  }
0x26: {  	v3 =	vmin.u32 v3, $0x88FF;
	_ =	sdelay $0x2  }
0x27: {  	vm0 =	veq.f32 v2, $0.0e+00  }
0x28: {  	v2 =	vnsel vm0, $0x0, v4  }
0x29: {  	[tilespmem:v3+s4+$0x0] =	vst.idx.add.f32.msk vm1, v2  }
0x2a: {  	v2 =	vld [tilespmem:$0x8910];
	_ =	sdelay $0x4  }
0x2b: {  	v2 =	vsub.s32 v2, v0  }
0x2c: {  	vm15 =	vgt.s32 v2, $0x0  }
0x2d: {  	v3 =	vld [tilespmem:$0x8990];
	vm2 =	vlt.u32 v2, $0x8900;
	v2 =	vnsel vm15, $0x0, v2  }
0x2e: {  	v2 =	vmin.u32 v2, $0x88FF;
	_ =	sdelay $0x3  }
0x2f: {  	v3 =	vnsel vm0, $0x0, v3  }
0x30: {  	[tilespmem:v2+s4+$0x0] =	vst.idx.add.f32.msk vm2, v3  }
0x31: {  	v2 =	vld [tilespmem:$0x8920];
	_ =	sdelay $0x4  }
0x32: {  	v2 =	vsub.s32 v2, v0  }
0x33: {  	vm4 =	vgt.s32 v2, $0x0  }
0x34: {  	v3 =	vld [tilespmem:$0x89A0];
	vm5 =	vlt.u32 v2, $0x8900;
	v2 =	vnsel vm4, $0x0, v2  }
0x35: {  	v2 =	vmin.u32 v2, $0x88FF;
	_ =	sdelay $0x3  }
0x36: {  	v3 =	vnsel vm0, $0x0, v3  }
0x37: {  	[tilespmem:v2+s4+$0x0] =	vst.idx.add.f32.msk vm5, v3  }
0x38: {  	v2 =	vld [tilespmem:$0x8930];
	_ =	sdelay $0x4  }
0x39: {  	v2 =	vsub.s32 v2, v0  }
0x3a: {  	vm6 =	vgt.s32 v2, $0x0  }
0x3b: {  	v3 =	vld [tilespmem:$0x89B0];
	vm7 =	vlt.u32 v2, $0x8900;
	v2 =	vnsel vm6, $0x0, v2  }
0x3c: {  	v2 =	vmin.u32 v2, $0x88FF;
	_ =	sdelay $0x3  }
0x3d: {  	v3 =	vnsel vm0, $0x0, v3  }
0x3e: {  	[tilespmem:v2+s4+$0x0] =	vst.idx.add.f32.msk vm7, v3  }
0x3f: {  	v2 =	vld [tilespmem:$0x8940];
	_ =	sdelay $0x4  }
0x40: {  	v2 =	vsub.s32 v2, v0  }
0x41: {  	vm8 =	vgt.s32 v2, $0x0  }
0x42: {  	v3 =	vld [tilespmem:$0x89C0];
	vm9 =	vlt.u32 v2, $0x8900;
	v2 =	vnsel vm8, $0x0, v2  }
0x43: {  	v2 =	vmin.u32 v2, $0x88FF;
	_ =	sdelay $0x3  }
0x44: {  	v3 =	vnsel vm0, $0x0, v3  }
0x45: {  	[tilespmem:v2+s4+$0x0] =	vst.idx.add.f32.msk vm9, v3  }
0x46: {  	v2 =	vld [tilespmem:$0x8950];
	_ =	sdelay $0x4  }
0x47: {  	v2 =	vsub.s32 v2, v0  }
0x48: {  	vm10 =	vgt.s32 v2, $0x0  }
0x49: {  	v3 =	vld [tilespmem:$0x89D0];
	vm11 =	vlt.u32 v2, $0x8900;
	v2 =	vnsel vm10, $0x0, v2  }
0x4a: {  	v2 =	vmin.u32 v2, $0x88FF;
	_ =	sdelay $0x3  }
0x4b: {  	v3 =	vnsel vm0, $0x0, v3  }
0x4c: {  	[tilespmem:v2+s4+$0x0] =	vst.idx.add.f32.msk vm11, v3  }
0x4d: {  	v2 =	vld [tilespmem:$0x8960];
	_ =	sdelay $0x4  }
0x4e: {  	v2 =	vsub.s32 v2, v0  }
0x4f: {  	vm12 =	vgt.s32 v2, $0x0  }
0x50: {  	v3 =	vld [tilespmem:$0x89E0];
	vm13 =	vlt.u32 v2, $0x8900;
	v2 =	vnsel vm12, $0x0, v2  }
0x51: {  	v2 =	vmin.u32 v2, $0x88FF;
	_ =	sdelay $0x3  }
0x52: {  	v3 =	vnsel vm0, $0x0, v3  }
0x53: {  	[tilespmem:v2+s4+$0x0] =	vst.idx.add.f32.msk vm13, v3  }
0x54: {  	v2 =	vld [tilespmem:$0x8970];
	_ =	sdelay $0x4  }
0x55: {  	v2 =	vsub.s32 v2, v0  }
0x56: {  	vm14 =	vgt.s32 v2, $0x0  }
0x57: {  	v3 =	vld [tilespmem:$0x89F0];
	vm15 =	vlt.u32 v2, $0x8900;
	v2 =	vnsel vm14, $0x0, v2  }
0x58: {  	v2 =	vmin.u32 v2, $0x88FF;
	_ =	sdelay $0x3  }
0x59: {  	v3 =	vnsel vm0, $0x0, v3  }
0x5a: {  	[tilespmem:v2+s4+$0x0] =	vst.idx.add.f32.msk vm15, v3  }
0x5b: {  	[hbm4b:s7+s4] =	stream.linear.scatter [tilespmem:s4], [sflag:$0x1], $0x8900, $0x38;
	[tilespmem:$0x8A10] =	vst v63  }
0x5c: {  	_ =	swait.ge [sflag:s17], $0x8900  }
0x5d: {  	[sflag:s17] =	ssyncset.done $0x0  }
0x5e: {  	[sflag:s17] =	ssyncadd.s32 $0xFFFF7700  }
.LBB2_6:
0x5f: {  	s12 =	sadd.s32 $0xFFFFFFFF, s12  }
0x60: {  	p2 =	sne.s32 s12, $0x0  }
.Ltmp1:
0x61: {  	_ = 	snop;
	(pc) =	sbr.rel @!p2 .LBB2_7-.Ltmp1, $1  }
0x62: {  	_ =	sdelay $0x3  }
.LBB2_1:
.Ltmp2:
0x63: {  	(pc) =	sbr.rel @!p0 .LBB2_2-.Ltmp2, $1  }
0x64: {  	_ =	sdelay $0x3  }
.Ltmp3:
0x65: {  	(pc) =	sbr.rel @!p1 .LBB2_4-.Ltmp3, $1  }
0x66: {  	_ =	sdelay $0x3  }
0x67: {  	[tilespmem:s4], [sflag:$0x1] =	stream.linear.gather [hbm4b:s10+s4], $0x6D40, $0x38;
	[tilespmem:$0x8A10] =	vst v63  }
0x68: {  	_ = 	snop  }
0x69: {  	[tilespmem:s13], [sflag:$0x2] =	stream.linear.gather [hbm4b:s1+s4], $0x80, $0x38;
	[tilespmem:$0x8A10] =	vst v63  }
0x6a: {  	_ =	swait.ge [sflag:s14], $0x80  }
0x6b: {  	[sflag:s14] =	ssyncset.done $0x0  }
0x6c: {  	[sflag:s14] =	ssyncadd.s32 $0xFFFFFF80  }
0x6d: {  	[tilespmem:s15], [sflag:$0x2] =	stream.linear.gather [hbm4b:s2+s4], $0x80, $0x38;
	[tilespmem:$0x8A10] =	vst v63  }
0x6e: {  	_ =	swait.ge [sflag:s14], $0x80  }
0x6f: {  	[sflag:s14] =	ssyncset.done $0x0  }
0x70: {  	[sflag:s14] =	ssyncadd.s32 $0xFFFFFF80  }
0x71: {  	[tilespmem:s16], [sflag:$0x2] =	stream.linear.gather [hbm4b:s5+s4], $0x10, $0x38;
	[tilespmem:$0x8A10] =	vst v63  }
0x72: {  	_ =	swait.ge [sflag:s14], $0x10  }
0x73: {  	[sflag:s14] =	ssyncset.done $0x0  }
0x74: {  	[sflag:s14] =	ssyncadd.s32 $0xFFFFFFF0  }
0x75: {  	v2 =	vld [tilespmem:$0x8A00];
	_ =	swait.ge [sflag:s17], $0x6D40  }
0x76: {  	[sflag:s17] =	ssyncset.done $0x0  }
0x77: {  	[sflag:s17] =	ssyncadd.s32 $0xFFFF92C0  }
0x78: {  	v3 =	vld [tilespmem:$0x8900];
	_ =	sdelay $0x4  }
0x79: {  	v3 =	vadd.s32 $0xFFF12B00, v3  }
0x7a: {  	vm0 =	vgt.s32 v3, $0x0  }
0x7b: {  	v4 =	vld [tilespmem:$0x8980];
	vm1 =	vlt.u32 v3, $0x6D40;
	v3 =	vnsel vm0, $0x0, v3  }
0x7c: {  	v3 =	vmin.u32 v3, $0x6D3F;
	_ =	sdelay $0x2  }
0x7d: {  	vm0 =	veq.f32 v2, $0.0e+00  }
0x7e: {  	v2 =	vnsel vm0, $0x0, v4  }
0x7f: {  	[tilespmem:v3+s4+$0x0] =	vst.idx.add.f32.msk vm1, v2  }
0x80: {  	v2 =	vld [tilespmem:$0x8910];
	_ =	sdelay $0x4  }
0x81: {  	v2 =	vadd.s32 $0xFFF12B00, v2  }
0x82: {  	vm15 =	vgt.s32 v2, $0x0  }
0x83: {  	v3 =	vld [tilespmem:$0x8990];
	vm2 =	vlt.u32 v2, $0x6D40;
	v2 =	vnsel vm15, $0x0, v2  }
0x84: {  	v2 =	vmin.u32 v2, $0x6D3F;
	_ =	sdelay $0x3  }
0x85: {  	v3 =	vnsel vm0, $0x0, v3  }
0x86: {  	[tilespmem:v2+s4+$0x0] =	vst.idx.add.f32.msk vm2, v3  }
0x87: {  	v2 =	vld [tilespmem:$0x8920];
	_ =	sdelay $0x4  }
0x88: {  	v2 =	vadd.s32 $0xFFF12B00, v2  }
0x89: {  	vm4 =	vgt.s32 v2, $0x0  }
0x8a: {  	v3 =	vld [tilespmem:$0x89A0];
	vm5 =	vlt.u32 v2, $0x6D40;
	v2 =	vnsel vm4, $0x0, v2  }
0x8b: {  	v2 =	vmin.u32 v2, $0x6D3F;
	_ =	sdelay $0x3  }
0x8c: {  	v3 =	vnsel vm0, $0x0, v3  }
0x8d: {  	[tilespmem:v2+s4+$0x0] =	vst.idx.add.f32.msk vm5, v3  }
0x8e: {  	v2 =	vld [tilespmem:$0x8930];
	_ =	sdelay $0x4  }
0x8f: {  	v2 =	vadd.s32 $0xFFF12B00, v2  }
0x90: {  	vm6 =	vgt.s32 v2, $0x0  }
0x91: {  	v3 =	vld [tilespmem:$0x89B0];
	vm7 =	vlt.u32 v2, $0x6D40;
	v2 =	vnsel vm6, $0x0, v2  }
0x92: {  	v2 =	vmin.u32 v2, $0x6D3F;
	_ =	sdelay $0x3  }
0x93: {  	v3 =	vnsel vm0, $0x0, v3  }
0x94: {  	[tilespmem:v2+s4+$0x0] =	vst.idx.add.f32.msk vm7, v3  }
0x95: {  	v2 =	vld [tilespmem:$0x8940];
	_ =	sdelay $0x4  }
0x96: {  	v2 =	vadd.s32 $0xFFF12B00, v2  }
0x97: {  	vm8 =	vgt.s32 v2, $0x0  }
0x98: {  	v3 =	vld [tilespmem:$0x89C0];
	vm9 =	vlt.u32 v2, $0x6D40;
	v2 =	vnsel vm8, $0x0, v2  }
0x99: {  	v2 =	vmin.u32 v2, $0x6D3F;
	_ =	sdelay $0x3  }
0x9a: {  	v3 =	vnsel vm0, $0x0, v3  }
0x9b: {  	[tilespmem:v2+s4+$0x0] =	vst.idx.add.f32.msk vm9, v3  }
0x9c: {  	v2 =	vld [tilespmem:$0x8950];
	_ =	sdelay $0x4  }
0x9d: {  	v2 =	vadd.s32 $0xFFF12B00, v2  }
0x9e: {  	vm10 =	vgt.s32 v2, $0x0  }
0x9f: {  	v3 =	vld [tilespmem:$0x89D0];
	vm11 =	vlt.u32 v2, $0x6D40;
	v2 =	vnsel vm10, $0x0, v2  }
0xa0: {  	v2 =	vmin.u32 v2, $0x6D3F;
	_ =	sdelay $0x3  }
0xa1: {  	v3 =	vnsel vm0, $0x0, v3  }
0xa2: {  	[tilespmem:v2+s4+$0x0] =	vst.idx.add.f32.msk vm11, v3  }
0xa3: {  	v2 =	vld [tilespmem:$0x8960];
	_ =	sdelay $0x4  }
0xa4: {  	v2 =	vadd.s32 $0xFFF12B00, v2  }
0xa5: {  	vm12 =	vgt.s32 v2, $0x0  }
0xa6: {  	v3 =	vld [tilespmem:$0x89E0];
	vm13 =	vlt.u32 v2, $0x6D40;
	v2 =	vnsel vm12, $0x0, v2  }
0xa7: {  	v2 =	vmin.u32 v2, $0x6D3F;
	_ =	sdelay $0x3  }
0xa8: {  	v3 =	vnsel vm0, $0x0, v3  }
0xa9: {  	[tilespmem:v2+s4+$0x0] =	vst.idx.add.f32.msk vm13, v3  }
0xaa: {  	v2 =	vld [tilespmem:$0x8970];
	_ =	sdelay $0x4  }
0xab: {  	v2 =	vadd.s32 $0xFFF12B00, v2  }
0xac: {  	vm14 =	vgt.s32 v2, $0x0  }
0xad: {  	v3 =	vld [tilespmem:$0x89F0];
	vm15 =	vlt.u32 v2, $0x6D40;
	v2 =	vnsel vm14, $0x0, v2  }
0xae: {  	v2 =	vmin.u32 v2, $0x6D3F;
	_ =	sdelay $0x3  }
0xaf: {  	v3 =	vnsel vm0, $0x0, v3  }
.Ltmp4:
0xb0: {  	[tilespmem:v2+s4+$0x0] =	vst.idx.add.f32.msk vm15, v3;
	(pc) =	sbr.rel .LBB2_6-.Ltmp4, $4  }
0xb1: {  	[hbm4b:s11+s4] =	stream.linear.scatter [tilespmem:s4], [sflag:$0x1], $0x6D40, $0x38;
	[tilespmem:$0x8A10] =	vst v63  }
0xb2: {  	_ =	swait.ge [sflag:s17], $0x6D40  }
0xb3: {  	[sflag:s17] =	ssyncset.done $0x0  }
0xb4: {  	[sflag:s17] =	ssyncadd.s32 $0xFFFF92C0  }
.LBB2_4:
0xb5: {  	[tilespmem:s4], [sflag:$0x1] =	stream.linear.gather [hbm4b:s8+s4], $0x6B00, $0x38;
	[tilespmem:$0x8A10] =	vst v63  }
0xb6: {  	_ = 	snop  }
0xb7: {  	[tilespmem:s13], [sflag:$0x2] =	stream.linear.gather [hbm4b:s1+s4], $0x80, $0x38;
	[tilespmem:$0x8A10] =	vst v63  }
0xb8: {  	_ =	swait.ge [sflag:s14], $0x80  }
0xb9: {  	[sflag:s14] =	ssyncset.done $0x0  }
0xba: {  	[sflag:s14] =	ssyncadd.s32 $0xFFFFFF80  }
0xbb: {  	[tilespmem:s15], [sflag:$0x2] =	stream.linear.gather [hbm4b:s2+s4], $0x80, $0x38;
	[tilespmem:$0x8A10] =	vst v63  }
0xbc: {  	_ =	swait.ge [sflag:s14], $0x80  }
0xbd: {  	[sflag:s14] =	ssyncset.done $0x0  }
0xbe: {  	[sflag:s14] =	ssyncadd.s32 $0xFFFFFF80  }
0xbf: {  	[tilespmem:s16], [sflag:$0x2] =	stream.linear.gather [hbm4b:s5+s4], $0x10, $0x38;
	[tilespmem:$0x8A10] =	vst v63  }
0xc0: {  	_ =	swait.ge [sflag:s14], $0x10  }
0xc1: {  	[sflag:s14] =	ssyncset.done $0x0  }
0xc2: {  	[sflag:s14] =	ssyncadd.s32 $0xFFFFFFF0  }
0xc3: {  	v2 =	vld [tilespmem:$0x8A00];
	_ =	swait.ge [sflag:s17], $0x6B00  }
0xc4: {  	[sflag:s17] =	ssyncset.done $0x0  }
0xc5: {  	[sflag:s17] =	ssyncadd.s32 $0xFFFF9500  }
0xc6: {  	v3 =	vld [tilespmem:$0x8900];
	_ =	sdelay $0x4  }
0xc7: {  	v3 =	vsub.s32 v3, v1  }
0xc8: {  	vm0 =	vgt.s32 v3, $0x0  }
0xc9: {  	v4 =	vld [tilespmem:$0x8980];
	vm1 =	vlt.u32 v3, $0x6B00;
	v3 =	vnsel vm0, $0x0, v3  }
0xca: {  	v3 =	vmin.u32 v3, $0x6AFF;
	_ =	sdelay $0x2  }
0xcb: {  	vm0 =	veq.f32 v2, $0.0e+00  }
0xcc: {  	v2 =	vnsel vm0, $0x0, v4  }
0xcd: {  	[tilespmem:v3+s4+$0x0] =	vst.idx.add.f32.msk vm1, v2  }
0xce: {  	v2 =	vld [tilespmem:$0x8910];
	_ =	sdelay $0x4  }
0xcf: {  	v2 =	vsub.s32 v2, v1  }
0xd0: {  	vm15 =	vgt.s32 v2, $0x0  }
0xd1: {  	v3 =	vld [tilespmem:$0x8990];
	vm2 =	vlt.u32 v2, $0x6B00;
	v2 =	vnsel vm15, $0x0, v2  }
0xd2: {  	v2 =	vmin.u32 v2, $0x6AFF;
	_ =	sdelay $0x3  }
0xd3: {  	v3 =	vnsel vm0, $0x0, v3  }
0xd4: {  	[tilespmem:v2+s4+$0x0] =	vst.idx.add.f32.msk vm2, v3  }
0xd5: {  	v2 =	vld [tilespmem:$0x8920];
	_ =	sdelay $0x4  }
0xd6: {  	v2 =	vsub.s32 v2, v1  }
0xd7: {  	vm4 =	vgt.s32 v2, $0x0  }
0xd8: {  	v3 =	vld [tilespmem:$0x89A0];
	vm5 =	vlt.u32 v2, $0x6B00;
	v2 =	vnsel vm4, $0x0, v2  }
0xd9: {  	v2 =	vmin.u32 v2, $0x6AFF;
	_ =	sdelay $0x3  }
0xda: {  	v3 =	vnsel vm0, $0x0, v3  }
0xdb: {  	[tilespmem:v2+s4+$0x0] =	vst.idx.add.f32.msk vm5, v3  }
0xdc: {  	v2 =	vld [tilespmem:$0x8930];
	_ =	sdelay $0x4  }
0xdd: {  	v2 =	vsub.s32 v2, v1  }
0xde: {  	vm6 =	vgt.s32 v2, $0x0  }
0xdf: {  	v3 =	vld [tilespmem:$0x89B0];
	vm7 =	vlt.u32 v2, $0x6B00;
	v2 =	vnsel vm6, $0x0, v2  }
0xe0: {  	v2 =	vmin.u32 v2, $0x6AFF;
	_ =	sdelay $0x3  }
0xe1: {  	v3 =	vnsel vm0, $0x0, v3  }
0xe2: {  	[tilespmem:v2+s4+$0x0] =	vst.idx.add.f32.msk vm7, v3  }
0xe3: {  	v2 =	vld [tilespmem:$0x8940];
	_ =	sdelay $0x4  }
0xe4: {  	v2 =	vsub.s32 v2, v1  }
0xe5: {  	vm8 =	vgt.s32 v2, $0x0  }
0xe6: {  	v3 =	vld [tilespmem:$0x89C0];
	vm9 =	vlt.u32 v2, $0x6B00;
	v2 =	vnsel vm8, $0x0, v2  }
0xe7: {  	v2 =	vmin.u32 v2, $0x6AFF;
	_ =	sdelay $0x3  }
0xe8: {  	v3 =	vnsel vm0, $0x0, v3  }
0xe9: {  	[tilespmem:v2+s4+$0x0] =	vst.idx.add.f32.msk vm9, v3  }
0xea: {  	v2 =	vld [tilespmem:$0x8950];
	_ =	sdelay $0x4  }
0xeb: {  	v2 =	vsub.s32 v2, v1  }
0xec: {  	vm10 =	vgt.s32 v2, $0x0  }
0xed: {  	v3 =	vld [tilespmem:$0x89D0];
	vm11 =	vlt.u32 v2, $0x6B00;
	v2 =	vnsel vm10, $0x0, v2  }
0xee: {  	v2 =	vmin.u32 v2, $0x6AFF;
	_ =	sdelay $0x3  }
0xef: {  	v3 =	vnsel vm0, $0x0, v3  }
0xf0: {  	[tilespmem:v2+s4+$0x0] =	vst.idx.add.f32.msk vm11, v3  }
0xf1: {  	v2 =	vld [tilespmem:$0x8960];
	_ =	sdelay $0x4  }
0xf2: {  	v2 =	vsub.s32 v2, v1  }
0xf3: {  	vm12 =	vgt.s32 v2, $0x0  }
0xf4: {  	v3 =	vld [tilespmem:$0x89E0];
	vm13 =	vlt.u32 v2, $0x6B00;
	v2 =	vnsel vm12, $0x0, v2  }
0xf5: {  	v2 =	vmin.u32 v2, $0x6AFF;
	_ =	sdelay $0x3  }
0xf6: {  	v3 =	vnsel vm0, $0x0, v3  }
0xf7: {  	[tilespmem:v2+s4+$0x0] =	vst.idx.add.f32.msk vm13, v3  }
0xf8: {  	v2 =	vld [tilespmem:$0x8970];
	_ =	sdelay $0x4  }
0xf9: {  	v2 =	vsub.s32 v2, v1  }
0xfa: {  	vm14 =	vgt.s32 v2, $0x0  }
0xfb: {  	v3 =	vld [tilespmem:$0x89F0];
	vm15 =	vlt.u32 v2, $0x6B00;
	v2 =	vnsel vm14, $0x0, v2  }
0xfc: {  	v2 =	vmin.u32 v2, $0x6AFF;
	_ =	sdelay $0x3  }
0xfd: {  	v3 =	vnsel vm0, $0x0, v3  }
.Ltmp5:
0xfe: {  	[tilespmem:v2+s4+$0x0] =	vst.idx.add.f32.msk vm15, v3;
	(pc) =	sbr.rel .LBB2_6-.Ltmp5, $4  }
0xff: {  	[hbm4b:s9+s4] =	stream.linear.scatter [tilespmem:s4], [sflag:$0x1], $0x6B00, $0x38;
	[tilespmem:$0x8A10] =	vst v63  }
0x100: {  	_ =	swait.ge [sflag:s17], $0x6B00  }
0x101: {  	[sflag:s17] =	ssyncset.done $0x0  }
0x102: {  	[sflag:s17] =	ssyncadd.s32 $0xFFFF9500  }
.LBB2_7:
0x103: {  	_ =	sfence.sel $0x180000  }
0x104: {  	[bflag:$0x0] =	sbarrier.arrive $0xFFFF  }
0x105: {  	p0 =	sne.s32 s3, $0x0;
	_ =	strace $0x90000047  }
0x106: {  	s0 =	sadd.s32 @!p0 $0x100000, s0;
	[bflag:$0x2] =	sbarrier.arrive $0xFFFF  }
0x107: {  	[sflag:s0] =	ssyncadd.tile.s32 @!p0 $0x1;
	_ =	shalt  }
.Lfunc_end2:
_tile_overlayer_lowered:
.L_overlay_start_2:
0x108: {  	(tag) =	ssettag $0x2  }
0x109: {  	s0 =	rddreg [dreg:$0x0];
	s2 =	stileid.u32  }
0x10a: {  	s1 =	rddreg [dreg:$0x1];
	p0 =	sne.s32 s2, $0x0  }
0x10b: {  	s3 =	rddreg [dreg:$0x2];
	[bflag:$0x3] =	sbarrier.arrive $0xFFFF;
	s2 =	simm.s32 @!p0 $0x1C02  }
0x10c: {  	[timem:s3], [sflag:s2] =	dma.local @!p0 [hbm:s0], s1  }
0x10d: {  	s0 =	simm.s32 @!p0 $0x2  }
0x10e: {  	_ =	swait.ge @!p0 [sflag:s0], s1  }
0x10f: {  	s1 =	ssub.s32 @!p0 $0x0, s1;
	[sflag:s0] =	ssyncset.done @!p0 $0x0  }
0x110: {  	[sflag:s0] =	ssyncadd.s32 @!p0 s1  }
0x111: {  	[bflag:$0x3] =	sbarrier.arrive $0xFFFF  }
0x112: {  	_ =	shalt  }

</sc_bundles>
